<compile_context>
chip_gen: v7x
topology: tpu7x:2x2x1
jax: 0.10.2.dev20260603
libtpu: 0.0.44.dev20260713+nightly
codegen_flags: <defaults>
</compile_context>

<pallas_src>
import functools

import jax
import jax.numpy as jnp
from jax import lax
from jax.experimental import pallas as pl
from jax.experimental.pallas import tpu as pltpu
from jax.experimental.pallas import tpu_sc as plsc

M_ = 100
MP = 128
K2_ = 9
KDIM_ = 256
VDIM_ = 3
TW = 384
H_ = 64
W_ = 64
HW_ = H_ * W_
PAD = 72
KP_ROWS = HW_ + 2 * PAD
TROWS = HW_ + 8
RBLK = 512
NC = 2
NS = 16
NW = NC * NS


def _select_body(k_ref, v_ref, mk_ref, nbr_ref, tbl_ref):
    b = pl.program_id(0)
    tbl_ref[0:PAD, :] = jnp.zeros((PAD, TW), jnp.float32)
    tbl_ref[PAD + HW_:, :] = jnp.zeros((PAD, TW), jnp.float32)
    tbl_ref[PAD:PAD + HW_, 0:KDIM_] = k_ref[0]
    tbl_ref[PAD:PAD + HW_, KDIM_:TW] = jnp.zeros((HW_, TW - KDIM_),
                                                 jnp.float32)
    tbl_ref[PAD:PAD + HW_, KDIM_:KDIM_ + VDIM_] = v_ref[0]

    xcol = jax.lax.broadcasted_iota(jnp.int32, (HW_, 1), 0) % W_

    acc = jnp.zeros((HW_, MP), jnp.float32)
    for t in range(K2_):
        dy, dx = t // 3 - 1, t % 3 - 1
        start = PAD + W_ * dy + dx
        sh = tbl_ref[start:start + HW_, 0:KDIM_]
        if dx == -1:
            sh = sh * (xcol >= 1).astype(jnp.float32)
        elif dx == 1:
            sh = sh * (xcol <= W_ - 2).astype(jnp.float32)
        w = mk_ref[0, :, t, :]
        acc = acc + jax.lax.dot_general(
            sh, w, (((1,), (1,)), ((), ())),
            preferred_element_type=jnp.float32)

    mcol = jax.lax.broadcasted_iota(jnp.int32, (HW_, MP), 1)
    lm = jnp.where(mcol < M_, acc, -1e30)
    lmax = jnp.max(lm, axis=1, keepdims=True)
    denom = jnp.sum(jnp.exp(lm - lmax), axis=1, keepdims=True)
    val = 1.0 / denom
    valT = jnp.transpose(val)

    nblk = HW_ // RBLK
    cnt_blocks = []
    for i in range(nblk):
        lo, hi = i * RBLK, (i + 1) * RBLK
        vi = val[lo:hi, :]
        acc_i = jnp.zeros((RBLK, 1), jnp.float32)
        if i > 0:
            le = valT[:, :lo] <= vi
            acc_i = acc_i + jnp.sum(
                jnp.where(le, 1.0, 0.0), axis=1, keepdims=True)
        if i < nblk - 1:
            lt = valT[:, hi:] < vi
            acc_i = acc_i + jnp.sum(
                jnp.where(lt, 1.0, 0.0), axis=1, keepdims=True)
        vd = valT[:, lo:hi]
        pio = jax.lax.broadcasted_iota(jnp.int32, (RBLK, RBLK), 0)
        qio = jax.lax.broadcasted_iota(jnp.int32, (RBLK, RBLK), 1)
        le_d = jnp.where(vd <= vi, 1.0, 0.0)
        lt_d = jnp.where(vd < vi, 1.0, 0.0)
        mix = jnp.where(qio < pio, le_d, lt_d)
        acc_i = acc_i + jnp.sum(mix, axis=1, keepdims=True)
        cnt_blocks.append(acc_i)
    rank_col = jnp.concatenate(cnt_blocks, axis=0)

    r_io = jax.lax.broadcasted_iota(jnp.int32, (HW_, MP), 1).astype(
        jnp.float32)
    q_io = jax.lax.broadcasted_iota(jnp.int32, (HW_, MP), 0).astype(
        jnp.float32)
    hit = rank_col == r_io
    srcT = jnp.sum(jnp.where(hit, q_io, 0.0), axis=0, keepdims=True)
    src = srcT.astype(jnp.int32)
    xs = src % W_

    for t in range(K2_):
        dy, dx = t // 3 - 1, t % 3 - 1
        nbr = src + (PAD + W_ * dy + dx)
        if dx == -1:
            nbr = jnp.where(xs >= 1, nbr, 0)
        elif dx == 1:
            nbr = jnp.where(xs <= W_ - 2, nbr, 0)
        nbr_ref[0, pl.ds(t, 1), :] = nbr + b * KP_ROWS


def _sc_gather_body(ch, nbr_hbm, tbl_hbm, out_hbm, idx_v, rows, sem):
    wid = lax.axis_index("s") * NC + lax.axis_index("c")
    base = wid * ch
    pltpu.sync_copy(nbr_hbm.at[pl.ds(base, ch)], idx_v)
    pltpu.async_copy(tbl_hbm.at[idx_v], rows, sem).wait()
    pltpu.sync_copy(rows, out_hbm.at[pl.ds(base, ch)])


def kernel(k, v, rkn_score, m_k, m_v, m_u):
    del rkn_score, m_v, m_u
    B = k.shape[0]
    mk_pad = jnp.pad(m_k, ((0, 0), (0, MP - M_), (0, 0), (0, 0)))

    nbr, tbl = pl.pallas_call(
        _select_body,
        grid=(B,),
        in_specs=[
            pl.BlockSpec((1, HW_, KDIM_), lambda b: (b, 0, 0)),
            pl.BlockSpec((1, HW_, VDIM_), lambda b: (b, 0, 0)),
            pl.BlockSpec((1, MP, K2_, KDIM_), lambda b: (b, 0, 0, 0)),
        ],
        out_specs=[
            pl.BlockSpec((1, K2_, MP), lambda b: (b, 0, 0)),
            pl.BlockSpec((KP_ROWS, TW), lambda b: (b, 0)),
        ],
        out_shape=[
            jax.ShapeDtypeStruct((B, K2_, MP), jnp.int32),
            jax.ShapeDtypeStruct((B * KP_ROWS, TW), jnp.float32),
        ],
        compiler_params=pltpu.CompilerParams(
            dimension_semantics=("arbitrary",)),
    )(k, v, mk_pad)

    tot = B * MP * K2_
    ch = tot // NW
    nbr_flat = nbr.transpose(0, 2, 1).reshape(tot)

    mesh = plsc.VectorSubcoreMesh(
        core_axis_name="c", subcore_axis_name="s",
        num_cores=NC, num_subcores=NS)
    sc_gather = pl.kernel(
        functools.partial(_sc_gather_body, ch),
        out_type=jax.ShapeDtypeStruct((tot, TW), jnp.float32),
        mesh=mesh,
        scratch_types=[
            pltpu.VMEM((ch,), jnp.int32),
            pltpu.VMEM((ch, TW), jnp.float32),
            pltpu.SemaphoreType.DMA,
        ],
    )
    out_flat = sc_gather(nbr_flat, tbl)

    out4 = out_flat.reshape(B, MP, K2_, TW)
    outk = out4[:, :M_, :, :KDIM_]
    outv = out4[:, :M_, :, KDIM_:KDIM_ + VDIM_]
    return outk, outv

# --- scband reference (transcript-rebuilt; emitter-appended) ---
"""Pipeline reference for scband-memory-42056319762659 (READ-ONLY COPY).

The authoritative reference and input builder live on the scoring server;
editing this copy changes nothing except your own understanding.
"""

import jax, jax.numpy as jnp
import numpy as np

M = 100
DECAY = 0.8
KERNEL = 3
K2 = KERNEL * KERNEL
KDIM = 256
VDIM = 3
H = 64
W = 64
HW = H * W
B = 2
THRESHOLD = 100.0 * (K2 / 100.0)


def extract_patches(x, kernel):
    # TF tf.image.extract_patches SAME padding, stride 1, rate 1.
    # Output channel ordering: (kh, kw, C) flattened, channels fastest.
    Bn, Hn, Wn, C = x.shape
    pad = kernel // 2
    xp = jnp.pad(x, ((0, 0), (pad, pad), (pad, pad), (0, 0)))
    slices = []
    for i in range(kernel):
        for j in range(kernel):
            slices.append(xp[:, i:i + Hn, j:j + Wn, :])
    return jnp.concatenate(slices, axis=-1)


def packed_mask(x, keep, m):
    # Emulates tf.ragged.boolean_mask(x, keep).to_tensor(default_value=0.0, shape=[B, m, ...])
    Bn, N = keep.shape
    pos = jnp.where(keep, jnp.arange(N)[None, :], N)
    src = jnp.sort(pos, axis=1)[:, :m]
    valid = src < N
    src_c = jnp.clip(src, 0, N - 1)
    extra = (1,) * (x.ndim - 2)
    g = jnp.take_along_axis(x, src_c.reshape(Bn, m, *extra), axis=1)
    return g * valid.reshape(Bn, m, *extra).astype(x.dtype)


def setup_inputs(seed: int = 0):
    key = jax.random.key(seed)
    ks = jax.random.split(key, 3)
    return {
        "k": jax.random.normal(ks[0], (B, HW, KDIM), dtype=jnp.float32),
        "v": jax.random.normal(ks[1], (B, HW, VDIM), dtype=jnp.float32),
        "rkn_score": jax.random.uniform(ks[2], (B, HW), dtype=jnp.float32),
        "m_k": jnp.zeros((B, M, K2, KDIM), dtype=jnp.float32),
        "m_v": jnp.zeros((B, M, K2, VDIM), dtype=jnp.float32),
        "m_u": jnp.ones((B, M), dtype=jnp.float32),
    }


def reference(k, v, rkn_score, m_k, m_v, m_u):
    # sort memory slots by usage ascending
    idx = jnp.argsort(m_u, axis=-1)
    m_u_sorted = jnp.take_along_axis(m_u, idx, axis=1)
    m_k_sorted = jnp.take_along_axis(m_k, idx[:, :, None, None], axis=1)
    m_v_sorted = jnp.take_along_axis(m_v, idx[:, :, None, None], axis=1)
    # patch extraction
    k_img = k.reshape(-1, H, W, KDIM)
    v_img = v.reshape(-1, H, W, VDIM)
    k_patch = extract_patches(k_img, KERNEL).reshape(B, HW, K2 * KDIM)
    v_patch = extract_patches(v_img, KERNEL).reshape(B, HW, K2 * VDIM)
    # similarity to memory keys
    mk_flat = m_k.reshape(B, M, K2 * KDIM)
    s = jax.nn.softmax(k_patch @ jnp.transpose(mk_flat, (0, 2, 1)), axis=-1)
    max_s_hw = jnp.max(s, axis=-1)  # [B, HW]
    max_s_m = jnp.max(s, axis=-2)   # [B, M]
    wv_bool = max_s_hw < THRESHOLD
    all_ones = jnp.ones_like(max_s_hw)
    # sort queries by confidence ascending
    idx2 = jnp.argsort(max_s_hw, axis=-1)
    k_sorted = jnp.take_along_axis(k_patch, idx2[:, :, None], axis=1).reshape(B, HW, K2, KDIM)
    v_sorted = jnp.take_along_axis(v_patch, idx2[:, :, None], axis=1).reshape(B, HW, K2, VDIM)
    rkn_sorted = jnp.take_along_axis(rkn_score, idx2, axis=1)
    write_ones = packed_mask(all_ones, wv_bool, M)
    write_k = packed_mask(k_sorted, wv_bool, M)
    write_v = packed_mask(v_sorted, wv_bool, M)
    write_rkn = packed_mask(rkn_sorted, wv_bool, M)
    m_u_new = (DECAY * m_u_sorted + max_s_m) * (1.0 - write_ones) + write_ones + write_rkn
    wo = write_ones[:, :, None, None]
    m_k_new = m_k_sorted * (1.0 - wo) + write_k
    m_v_new = m_v_sorted * (1.0 - wo) + write_v
    return m_k_new, m_v_new


if False:  # reference __main__ guard neutralized (emitter)
    out = reference(**setup_inputs())
    print(out[0].shape, out[1].shape)

if __name__ == "__main__":
    import jax
    _d = setup_inputs()
    print(jax.jit(kernel)(*tuple(_d.values())))

</pallas_src>

<mosaic_0001>
#map = affine_map<(d0, d1) -> (0)>
#map1 = affine_map<(d0, d1) -> (0, 0)>
module attributes {stable_mosaic.version = 14 : i64} {
  func.func @_sc_gather_body(%arg0: i32, %arg1: i32, %arg2: memref<2304xi32, #tpu.memory_space<hbm>>, %arg3: memref<8480x384xf32, #tpu.memory_space<hbm>>, %arg4: memref<2304x384xf32, #tpu.memory_space<hbm>>, %arg5: memref<72xi32, #tpu.memory_space<vmem>>, %arg6: memref<72x384xf32, #tpu.memory_space<vmem>>, %arg7: memref<!tpu.dma_semaphore, #tpu.memory_space<semaphore_mem>>) attributes {dimension_semantics = [#tpu.dimension_semantics<core_parallel>, #tpu.dimension_semantics<subcore_parallel>], iteration_bounds = array<i64: 2, 16>, scalar_prefetch = 0 : i64, scratch_operands = 3 : i64, tpu.core_type = #tpu.core_type<sc_vector_subcore>, window_params = [{transform_indices = #map}, {transform_indices = #map1}, {transform_indices = #map1}]} {
    %mul3A = arith.constant 2 : i32
    %mul3A_0 = arith.muli %arg1, %mul3A : i32
    %add3A = arith.addi %mul3A_0, %arg0 : i32
    %mul3A_1 = arith.constant 72 : i32
    %mul3A_2 = arith.muli %add3A, %mul3A_1 : i32
    "tpu.region"() ({
      %run_scoped3A = tpu.sem_alloc : memref<!tpu.dma_semaphore, #tpu.memory_space<semaphore_mem>>
      %dma_start3A_7 = tpu.memref_slice %arg2[%mul3A_2] : memref<2304xi32, #tpu.memory_space<hbm>> -> memref<72xi32, #tpu.memory_space<hbm>>
      %dma_start3A_8 = tpu.memref_slice %arg2[%mul3A_2] : memref<2304xi32, #tpu.memory_space<hbm>> -> memref<72xi32, #tpu.memory_space<hbm>>
      tpu.enqueue_dma source(%dma_start3A_8 : memref<72xi32, #tpu.memory_space<hbm>>) target(%arg5 : memref<72xi32, #tpu.memory_space<vmem>>) target_semaphore(%run_scoped3A : memref<!tpu.dma_semaphore, #tpu.memory_space<semaphore_mem>>)
      %dma_wait3A_9 = tpu.memref_slice %arg2[%mul3A_2] : memref<2304xi32, #tpu.memory_space<hbm>> -> memref<72xi32, #tpu.memory_space<hbm>>
      %dma_wait3A_10 = tpu.memref_slice %arg2[%mul3A_2] : memref<2304xi32, #tpu.memory_space<hbm>> -> memref<72xi32, #tpu.memory_space<hbm>>
      tpu.wait_dma2 semaphore(%run_scoped3A : memref<!tpu.dma_semaphore, #tpu.memory_space<semaphore_mem>>) src(%dma_wait3A_10 : memref<72xi32, #tpu.memory_space<hbm>>) dst(%arg5 : memref<72xi32, #tpu.memory_space<vmem>>)
      tpu.yield
    }) : () -> ()
    %dma_start3A = arith.constant 0 : i32
    %dma_start3A_3 = arith.constant 0 : i32
    %dma_start3A_4 = tpu.memref_slice %arg3[%dma_start3A, %dma_start3A_3] : memref<8480x384xf32, #tpu.memory_space<hbm>> -> memref<8480x384xf32, #tpu.memory_space<hbm>>
    tpu.enqueue_indirect_dma source(%dma_start3A_4 : memref<8480x384xf32, #tpu.memory_space<hbm>>) target(%arg6 : memref<72x384xf32, #tpu.memory_space<vmem>>) offsets(%arg5 : memref<72xi32, #tpu.memory_space<vmem>>) semaphore(%arg7 : memref<!tpu.dma_semaphore, #tpu.memory_space<semaphore_mem>>)
    %dma_wait3A = arith.constant 0 : i32
    %dma_wait3A_5 = arith.constant 0 : i32
    %dma_wait3A_6 = tpu.memref_slice %arg3[%dma_wait3A, %dma_wait3A_5] : memref<8480x384xf32, #tpu.memory_space<hbm>> -> memref<8480x384xf32, #tpu.memory_space<hbm>>
    tpu.wait_indirect_dma semaphore(%arg7 : memref<!tpu.dma_semaphore, #tpu.memory_space<semaphore_mem>>) src(%dma_wait3A_6 : memref<8480x384xf32, #tpu.memory_space<hbm>>) dst(%arg6 : memref<72x384xf32, #tpu.memory_space<vmem>>)
    "tpu.region"() ({
      %run_scoped3A = tpu.sem_alloc : memref<!tpu.dma_semaphore, #tpu.memory_space<semaphore_mem>>
      %dma_start3A_7 = arith.constant 0 : i32
      %dma_start3A_8 = tpu.memref_slice %arg4[%mul3A_2, %dma_start3A_7] : memref<2304x384xf32, #tpu.memory_space<hbm>> -> memref<72x384xf32, #tpu.memory_space<hbm>>
      %dma_start3A_9 = arith.constant 0 : i32
      %dma_start3A_10 = tpu.memref_slice %arg4[%mul3A_2, %dma_start3A_9] : memref<2304x384xf32, #tpu.memory_space<hbm>> -> memref<72x384xf32, #tpu.memory_space<hbm>>
      tpu.enqueue_dma source(%arg6 : memref<72x384xf32, #tpu.memory_space<vmem>>) target(%dma_start3A_10 : memref<72x384xf32, #tpu.memory_space<hbm>>) target_semaphore(%run_scoped3A : memref<!tpu.dma_semaphore, #tpu.memory_space<semaphore_mem>>)
      %dma_wait3A_11 = arith.constant 0 : i32
      %dma_wait3A_12 = tpu.memref_slice %arg4[%mul3A_2, %dma_wait3A_11] : memref<2304x384xf32, #tpu.memory_space<hbm>> -> memref<72x384xf32, #tpu.memory_space<hbm>>
      %dma_wait3A_13 = arith.constant 0 : i32
      %dma_wait3A_14 = tpu.memref_slice %arg4[%mul3A_2, %dma_wait3A_13] : memref<2304x384xf32, #tpu.memory_space<hbm>> -> memref<72x384xf32, #tpu.memory_space<hbm>>
      tpu.wait_dma2 semaphore(%run_scoped3A : memref<!tpu.dma_semaphore, #tpu.memory_space<semaphore_mem>>) src(%arg6 : memref<72x384xf32, #tpu.memory_space<vmem>>) dst(%dma_wait3A_14 : memref<72x384xf32, #tpu.memory_space<hbm>>)
      tpu.yield
    }) : () -> ()
    return
  }
}

module attributes {stable_mosaic.version = 14 : i64} {
  func.func @_select_body(%arg0: i32, %arg1: memref<1x4096x256xf32, #tpu.memory_space<vmem>>, %arg2: memref<1x4096x3xf32, #tpu.memory_space<vmem>>, %arg3: memref<1x128x9x256xf32, #tpu.memory_space<vmem>>, %arg4: memref<1x9x128xi32, #tpu.memory_space<vmem>>, %arg5: memref<4240x384xf32, #tpu.memory_space<vmem>>) attributes {dimension_semantics = [#tpu.dimension_semantics<arbitrary>], iteration_bounds = array<i64: 2>, scalar_prefetch = 0 : i64, scratch_operands = 0 : i64, tpu.core_type = #tpu.core_type<tc>, window_params = [{transform_indices = @transform_0, window_bounds = array<i64: 1, 4096, 256>}, {transform_indices = @transform_1, window_bounds = array<i64: 1, 4096, 3>}, {transform_indices = @transform_2, window_bounds = array<i64: 1, 128, 9, 256>}, {transform_indices = @transform_3, window_bounds = array<i64: 1, 9, 128>}, {transform_indices = @transform_4, window_bounds = array<i64: 4240, 384>}]} {
    %broadcast_in_dim3A = arith.constant 0.000000e+00 : f32
    %broadcast_in_dim3A_0 = vector.broadcast %broadcast_in_dim3A : f32 to vector<72x384xf32>
    %swap3A = arith.constant 0 : index
    %swap3A_1 = arith.constant 0 : index
    %swap3A_2 = vector.load %arg5[%swap3A, %swap3A_1] : memref<4240x384xf32, #tpu.memory_space<vmem>>, vector<72x384xf32>
    tpu.vector_store %arg5[%swap3A, %swap3A_1], %broadcast_in_dim3A_0 {strides = array<i32>} : memref<4240x384xf32, #tpu.memory_space<vmem>>, vector<72x384xf32>,
    %broadcast_in_dim3A_3 = arith.constant 0.000000e+00 : f32
    %broadcast_in_dim3A_4 = vector.broadcast %broadcast_in_dim3A_3 : f32 to vector<72x384xf32>
    %swap3A_5 = arith.constant 4168 : index
    %swap3A_6 = arith.constant 0 : index
    %swap3A_7 = vector.load %arg5[%swap3A_5, %swap3A_6] : memref<4240x384xf32, #tpu.memory_space<vmem>>, vector<72x384xf32>
    tpu.vector_store %arg5[%swap3A_5, %swap3A_6], %broadcast_in_dim3A_4 {strides = array<i32>} : memref<4240x384xf32, #tpu.memory_space<vmem>>, vector<72x384xf32>,
    %get3A = arith.constant 0 : index
    %get3A_8 = arith.constant 0 : index
    %get3A_9 = arith.constant 0 : index
    %get3A_10 = vector.load %arg1[%get3A, %get3A_8, %get3A_9] : memref<1x4096x256xf32, #tpu.memory_space<vmem>>, vector<1x4096x256xf32>
    %get3A_11 = vector.shape_cast %get3A_10 : vector<1x4096x256xf32> to vector<4096x256xf32>
    %swap3A_12 = arith.constant 72 : index
    %swap3A_13 = arith.constant 0 : index
    %swap3A_14 = vector.load %arg5[%swap3A_12, %swap3A_13] : memref<4240x384xf32, #tpu.memory_space<vmem>>, vector<4096x256xf32>
    tpu.vector_store %arg5[%swap3A_12, %swap3A_13], %get3A_11 {strides = array<i32>} : memref<4240x384xf32, #tpu.memory_space<vmem>>, vector<4096x256xf32>,
    %broadcast_in_dim3A_15 = arith.constant 0.000000e+00 : f32
    %broadcast_in_dim3A_16 = vector.broadcast %broadcast_in_dim3A_15 : f32 to vector<4096x128xf32>
    %swap3A_17 = arith.constant 72 : index
    %swap3A_18 = arith.constant 256 : index
    %swap3A_19 = vector.load %arg5[%swap3A_17, %swap3A_18] : memref<4240x384xf32, #tpu.memory_space<vmem>>, vector<4096x128xf32>
    tpu.vector_store %arg5[%swap3A_17, %swap3A_18], %broadcast_in_dim3A_16 {strides = array<i32>} : memref<4240x384xf32, #tpu.memory_space<vmem>>, vector<4096x128xf32>,
    %get3A_20 = arith.constant 0 : index
    %get3A_21 = arith.constant 0 : index
    %get3A_22 = arith.constant 0 : index
    %get3A_23 = vector.load %arg2[%get3A_20, %get3A_21, %get3A_22] : memref<1x4096x3xf32, #tpu.memory_space<vmem>>, vector<1x4096x3xf32>
    %get3A_24 = vector.shape_cast %get3A_23 : vector<1x4096x3xf32> to vector<4096x3xf32>
    %swap3A_25 = arith.constant 72 : index
    %swap3A_26 = arith.constant 256 : index
    %swap3A_27 = vector.load %arg5[%swap3A_25, %swap3A_26] : memref<4240x384xf32, #tpu.memory_space<vmem>>, vector<4096x3xf32>
    tpu.vector_store %arg5[%swap3A_25, %swap3A_26], %get3A_24 {strides = array<i32>} : memref<4240x384xf32, #tpu.memory_space<vmem>>, vector<4096x3xf32>,
    %iota3A = tpu.iota {dimensions = array<i32: 0>} : vector<4096x1xi32>
    %jit3A = arith.constant 64 : i32
    %eq3A = arith.constant 0 : i32
    %eq3A_28 = arith.cmpi eq, %jit3A, %eq3A : i32
    %jit3A_29 = arith.constant 1 : i32
    %select_n3A = arith.select %eq3A_28, %jit3A_29, %jit3A : i32
    %rem3A = vector.broadcast %select_n3A : i32 to vector<4096x1xi32>
    %rem3A_30 = arith.remsi %iota3A, %rem3A : vector<4096x1xi32>
    %ne3A = arith.constant 0 : i32
    %ne3A_31 = vector.broadcast %ne3A : i32 to vector<4096x1xi32>
    %ne3A_32 = arith.cmpi ne, %rem3A_30, %ne3A_31 : vector<4096x1xi32>
    %lt3A = arith.constant 0 : i32
    %lt3A_33 = vector.broadcast %lt3A : i32 to vector<4096x1xi32>
    %lt3A_34 = arith.cmpi slt, %rem3A_30, %lt3A_33 : vector<4096x1xi32>
    %lt3A_35 = arith.constant 0 : i32
    %lt3A_36 = arith.cmpi slt, %select_n3A, %lt3A_35 : i32
    %ne3A_37 = vector.broadcast %lt3A_36 : i1 to vector<4096x1xi1>
    %ne3A_38 = vector.broadcast %ne3A_37 : vector<4096x1xi1> to vector<4096x1xi1>
    %ne3A_39 = arith.xori %lt3A_34, %ne3A_38 : vector<4096x1xi1>
    %and3A = arith.andi %ne3A_39, %ne3A_32 : vector<4096x1xi1>
    %add3A = vector.broadcast %select_n3A : i32 to vector<4096x1xi32>
    %add3A_40 = arith.addi %rem3A_30, %add3A : vector<4096x1xi32>
    %select_n3A_41 = arith.select %and3A, %add3A_40, %rem3A_30 : vector<4096x1xi1>, vector<4096x1xi32>
    %broadcast_in_dim3A_42 = arith.constant 0.000000e+00 : f32
    %broadcast_in_dim3A_43 = vector.broadcast %broadcast_in_dim3A_42 : f32 to vector<4096x128xf32>
    %get3A_44 = arith.constant 7 : index
    %get3A_45 = arith.constant 0 : index
    %get3A_46 = vector.load %arg5[%get3A_44, %get3A_45] : memref<4240x384xf32, #tpu.memory_space<vmem>>, vector<4096x256xf32>
    %ge3A = arith.constant 1 : i32
    %ge3A_47 = vector.broadcast %ge3A : i32 to vector<4096x1xi32>
    %ge3A_48 = arith.cmpi sge, %select_n3A_41, %ge3A_47 : vector<4096x1xi32>
    %convert_element_type3A = arith.extui %ge3A_48 : vector<4096x1xi1> to vector<4096x1xi32>
    %convert_element_type3A_49 = arith.sitofp %convert_element_type3A : vector<4096x1xi32> to vector<4096x1xf32>
    %mul3A = vector.broadcast %convert_element_type3A_49 : vector<4096x1xf32> to vector<4096x256xf32>
    %mul3A_50 = arith.mulf %get3A_46, %mul3A : vector<4096x256xf32>
    %get3A_51 = arith.constant 0 : index
    %get3A_52 = arith.constant 0 : index
    %get3A_53 = arith.constant 0 : index
    %get3A_54 = arith.constant 0 : index
    %get3A_55 = vector.load %arg3[%get3A_51, %get3A_52, %get3A_53, %get3A_54] : memref<1x128x9x256xf32, #tpu.memory_space<vmem>>, vector<1x128x1x256xf32>
    %get3A_56 = vector.shape_cast %get3A_55 : vector<1x128x1x256xf32> to vector<128x256xf32>
    %dot_general3A = arith.constant dense<0.000000e+00> : vector<4096x128xf32>
    %dot_general3A_57 = tpu.matmul %mul3A_50, %get3A_56, %dot_general3A {dimension_numbers = #tpu.dot_dimension_numbers<[1], [1], [0], [0], [0, 0, 1, 0], [], []>, transpose_lhs_hint = false} : vector<4096x256xf32>, vector<128x256xf32>, vector<4096x128xf32> -> vector<4096x128xf32>
    %add3A_58 = arith.addf %broadcast_in_dim3A_43, %dot_general3A_57 : vector<4096x128xf32>
    %get3A_59 = arith.constant 8 : index
    %get3A_60 = arith.constant 0 : index
    %get3A_61 = vector.load %arg5[%get3A_59, %get3A_60] : memref<4240x384xf32, #tpu.memory_space<vmem>>, vector<4096x256xf32>
    %get3A_62 = arith.constant 0 : index
    %get3A_63 = arith.constant 0 : index
    %get3A_64 = arith.constant 1 : index
    %get3A_65 = arith.constant 0 : index
    %get3A_66 = vector.load %arg3[%get3A_62, %get3A_63, %get3A_64, %get3A_65] : memref<1x128x9x256xf32, #tpu.memory_space<vmem>>, vector<1x128x1x256xf32>
    %get3A_67 = vector.shape_cast %get3A_66 : vector<1x128x1x256xf32> to vector<128x256xf32>
    %dot_general3A_68 = arith.constant dense<0.000000e+00> : vector<4096x128xf32>
    %dot_general3A_69 = tpu.matmul %get3A_61, %get3A_67, %dot_general3A_68 {dimension_numbers = #tpu.dot_dimension_numbers<[1], [1], [0], [0], [0, 0, 1, 0], [], []>, transpose_lhs_hint = false} : vector<4096x256xf32>, vector<128x256xf32>, vector<4096x128xf32> -> vector<4096x128xf32>
    %add3A_70 = arith.addf %add3A_58, %dot_general3A_69 : vector<4096x128xf32>
    %get3A_71 = arith.constant 9 : index
    %get3A_72 = arith.constant 0 : index
    %get3A_73 = vector.load %arg5[%get3A_71, %get3A_72] : memref<4240x384xf32, #tpu.memory_space<vmem>>, vector<4096x256xf32>
    %le3A = arith.constant 62 : i32
    %le3A_74 = vector.broadcast %le3A : i32 to vector<4096x1xi32>
    %le3A_75 = arith.cmpi sle, %select_n3A_41, %le3A_74 : vector<4096x1xi32>
    %convert_element_type3A_76 = arith.extui %le3A_75 : vector<4096x1xi1> to vector<4096x1xi32>
    %convert_element_type3A_77 = arith.sitofp %convert_element_type3A_76 : vector<4096x1xi32> to vector<4096x1xf32>
    %mul3A_78 = vector.broadcast %convert_element_type3A_77 : vector<4096x1xf32> to vector<4096x256xf32>
    %mul3A_79 = arith.mulf %get3A_73, %mul3A_78 : vector<4096x256xf32>
    %get3A_80 = arith.constant 0 : index
    %get3A_81 = arith.constant 0 : index
    %get3A_82 = arith.constant 2 : index
    %get3A_83 = arith.constant 0 : index
    %get3A_84 = vector.load %arg3[%get3A_80, %get3A_81, %get3A_82, %get3A_83] : memref<1x128x9x256xf32, #tpu.memory_space<vmem>>, vector<1x128x1x256xf32>
    %get3A_85 = vector.shape_cast %get3A_84 : vector<1x128x1x256xf32> to vector<128x256xf32>
    %dot_general3A_86 = arith.constant dense<0.000000e+00> : vector<4096x128xf32>
    %dot_general3A_87 = tpu.matmul %mul3A_79, %get3A_85, %dot_general3A_86 {dimension_numbers = #tpu.dot_dimension_numbers<[1], [1], [0], [0], [0, 0, 1, 0], [], []>, transpose_lhs_hint = false} : vector<4096x256xf32>, vector<128x256xf32>, vector<4096x128xf32> -> vector<4096x128xf32>
    %add3A_88 = arith.addf %add3A_70, %dot_general3A_87 : vector<4096x128xf32>
    %get3A_89 = arith.constant 71 : index
    %get3A_90 = arith.constant 0 : index
    %get3A_91 = vector.load %arg5[%get3A_89, %get3A_90] : memref<4240x384xf32, #tpu.memory_space<vmem>>, vector<4096x256xf32>
    %ge3A_92 = arith.constant 1 : i32
    %ge3A_93 = vector.broadcast %ge3A_92 : i32 to vector<4096x1xi32>
    %ge3A_94 = arith.cmpi sge, %select_n3A_41, %ge3A_93 : vector<4096x1xi32>
    %convert_element_type3A_95 = arith.extui %ge3A_94 : vector<4096x1xi1> to vector<4096x1xi32>
    %convert_element_type3A_96 = arith.sitofp %convert_element_type3A_95 : vector<4096x1xi32> to vector<4096x1xf32>
    %mul3A_97 = vector.broadcast %convert_element_type3A_96 : vector<4096x1xf32> to vector<4096x256xf32>
    %mul3A_98 = arith.mulf %get3A_91, %mul3A_97 : vector<4096x256xf32>
    %get3A_99 = arith.constant 0 : index
    %get3A_100 = arith.constant 0 : index
    %get3A_101 = arith.constant 3 : index
    %get3A_102 = arith.constant 0 : index
    %get3A_103 = vector.load %arg3[%get3A_99, %get3A_100, %get3A_101, %get3A_102] : memref<1x128x9x256xf32, #tpu.memory_space<vmem>>, vector<1x128x1x256xf32>
    %get3A_104 = vector.shape_cast %get3A_103 : vector<1x128x1x256xf32> to vector<128x256xf32>
    %dot_general3A_105 = arith.constant dense<0.000000e+00> : vector<4096x128xf32>
    %dot_general3A_106 = tpu.matmul %mul3A_98, %get3A_104, %dot_general3A_105 {dimension_numbers = #tpu.dot_dimension_numbers<[1], [1], [0], [0], [0, 0, 1, 0], [], []>, transpose_lhs_hint = false} : vector<4096x256xf32>, vector<128x256xf32>, vector<4096x128xf32> -> vector<4096x128xf32>
    %add3A_107 = arith.addf %add3A_88, %dot_general3A_106 : vector<4096x128xf32>
    %get3A_108 = arith.constant 72 : index
    %get3A_109 = arith.constant 0 : index
    %get3A_110 = vector.load %arg5[%get3A_108, %get3A_109] : memref<4240x384xf32, #tpu.memory_space<vmem>>, vector<4096x256xf32>
    %get3A_111 = arith.constant 0 : index
    %get3A_112 = arith.constant 0 : index
    %get3A_113 = arith.constant 4 : index
    %get3A_114 = arith.constant 0 : index
    %get3A_115 = vector.load %arg3[%get3A_111, %get3A_112, %get3A_113, %get3A_114] : memref<1x128x9x256xf32, #tpu.memory_space<vmem>>, vector<1x128x1x256xf32>
    %get3A_116 = vector.shape_cast %get3A_115 : vector<1x128x1x256xf32> to vector<128x256xf32>
    %dot_general3A_117 = arith.constant dense<0.000000e+00> : vector<4096x128xf32>
    %dot_general3A_118 = tpu.matmul %get3A_110, %get3A_116, %dot_general3A_117 {dimension_numbers = #tpu.dot_dimension_numbers<[1], [1], [0], [0], [0, 0, 1, 0], [], []>, transpose_lhs_hint = false} : vector<4096x256xf32>, vector<128x256xf32>, vector<4096x128xf32> -> vector<4096x128xf32>
    %add3A_119 = arith.addf %add3A_107, %dot_general3A_118 : vector<4096x128xf32>
    %get3A_120 = arith.constant 73 : index
    %get3A_121 = arith.constant 0 : index
    %get3A_122 = vector.load %arg5[%get3A_120, %get3A_121] : memref<4240x384xf32, #tpu.memory_space<vmem>>, vector<4096x256xf32>
    %le3A_123 = arith.constant 62 : i32
    %le3A_124 = vector.broadcast %le3A_123 : i32 to vector<4096x1xi32>
    %le3A_125 = arith.cmpi sle, %select_n3A_41, %le3A_124 : vector<4096x1xi32>
    %convert_element_type3A_126 = arith.extui %le3A_125 : vector<4096x1xi1> to vector<4096x1xi32>
    %convert_element_type3A_127 = arith.sitofp %convert_element_type3A_126 : vector<4096x1xi32> to vector<4096x1xf32>
    %mul3A_128 = vector.broadcast %convert_element_type3A_127 : vector<4096x1xf32> to vector<4096x256xf32>
    %mul3A_129 = arith.mulf %get3A_122, %mul3A_128 : vector<4096x256xf32>
    %get3A_130 = arith.constant 0 : index
    %get3A_131 = arith.constant 0 : index
    %get3A_132 = arith.constant 5 : index
    %get3A_133 = arith.constant 0 : index
    %get3A_134 = vector.load %arg3[%get3A_130, %get3A_131, %get3A_132, %get3A_133] : memref<1x128x9x256xf32, #tpu.memory_space<vmem>>, vector<1x128x1x256xf32>
    %get3A_135 = vector.shape_cast %get3A_134 : vector<1x128x1x256xf32> to vector<128x256xf32>
    %dot_general3A_136 = arith.constant dense<0.000000e+00> : vector<4096x128xf32>
    %dot_general3A_137 = tpu.matmul %mul3A_129, %get3A_135, %dot_general3A_136 {dimension_numbers = #tpu.dot_dimension_numbers<[1], [1], [0], [0], [0, 0, 1, 0], [], []>, transpose_lhs_hint = false} : vector<4096x256xf32>, vector<128x256xf32>, vector<4096x128xf32> -> vector<4096x128xf32>
    %add3A_138 = arith.addf %add3A_119, %dot_general3A_137 : vector<4096x128xf32>
    %get3A_139 = arith.constant 135 : index
    %get3A_140 = arith.constant 0 : index
    %get3A_141 = vector.load %arg5[%get3A_139, %get3A_140] : memref<4240x384xf32, #tpu.memory_space<vmem>>, vector<4096x256xf32>
    %ge3A_142 = arith.constant 1 : i32
    %ge3A_143 = vector.broadcast %ge3A_142 : i32 to vector<4096x1xi32>
    %ge3A_144 = arith.cmpi sge, %select_n3A_41, %ge3A_143 : vector<4096x1xi32>
    %convert_element_type3A_145 = arith.extui %ge3A_144 : vector<4096x1xi1> to vector<4096x1xi32>
    %convert_element_type3A_146 = arith.sitofp %convert_element_type3A_145 : vector<4096x1xi32> to vector<4096x1xf32>
    %mul3A_147 = vector.broadcast %convert_element_type3A_146 : vector<4096x1xf32> to vector<4096x256xf32>
    %mul3A_148 = arith.mulf %get3A_141, %mul3A_147 : vector<4096x256xf32>
    %get3A_149 = arith.constant 0 : index
    %get3A_150 = arith.constant 0 : index
    %get3A_151 = arith.constant 6 : index
    %get3A_152 = arith.constant 0 : index
    %get3A_153 = vector.load %arg3[%get3A_149, %get3A_150, %get3A_151, %get3A_152] : memref<1x128x9x256xf32, #tpu.memory_space<vmem>>, vector<1x128x1x256xf32>
    %get3A_154 = vector.shape_cast %get3A_153 : vector<1x128x1x256xf32> to vector<128x256xf32>
    %dot_general3A_155 = arith.constant dense<0.000000e+00> : vector<4096x128xf32>
    %dot_general3A_156 = tpu.matmul %mul3A_148, %get3A_154, %dot_general3A_155 {dimension_numbers = #tpu.dot_dimension_numbers<[1], [1], [0], [0], [0, 0, 1, 0], [], []>, transpose_lhs_hint = false} : vector<4096x256xf32>, vector<128x256xf32>, vector<4096x128xf32> -> vector<4096x128xf32>
    %add3A_157 = arith.addf %add3A_138, %dot_general3A_156 : vector<4096x128xf32>
    %get3A_158 = arith.constant 136 : index
    %get3A_159 = arith.constant 0 : index
    %get3A_160 = vector.load %arg5[%get3A_158, %get3A_159] : memref<4240x384xf32, #tpu.memory_space<vmem>>, vector<4096x256xf32>
    %get3A_161 = arith.constant 0 : index
    %get3A_162 = arith.constant 0 : index
    %get3A_163 = arith.constant 7 : index
    %get3A_164 = arith.constant 0 : index
    %get3A_165 = vector.load %arg3[%get3A_161, %get3A_162, %get3A_163, %get3A_164] : memref<1x128x9x256xf32, #tpu.memory_space<vmem>>, vector<1x128x1x256xf32>
    %get3A_166 = vector.shape_cast %get3A_165 : vector<1x128x1x256xf32> to vector<128x256xf32>
    %dot_general3A_167 = arith.constant dense<0.000000e+00> : vector<4096x128xf32>
    %dot_general3A_168 = tpu.matmul %get3A_160, %get3A_166, %dot_general3A_167 {dimension_numbers = #tpu.dot_dimension_numbers<[1], [1], [0], [0], [0, 0, 1, 0], [], []>, transpose_lhs_hint = false} : vector<4096x256xf32>, vector<128x256xf32>, vector<4096x128xf32> -> vector<4096x128xf32>
    %add3A_169 = arith.addf %add3A_157, %dot_general3A_168 : vector<4096x128xf32>
    %get3A_170 = arith.constant 137 : index
    %get3A_171 = arith.constant 0 : index
    %get3A_172 = vector.load %arg5[%get3A_170, %get3A_171] : memref<4240x384xf32, #tpu.memory_space<vmem>>, vector<4096x256xf32>
    %le3A_173 = arith.constant 62 : i32
    %le3A_174 = vector.broadcast %le3A_173 : i32 to vector<4096x1xi32>
    %le3A_175 = arith.cmpi sle, %select_n3A_41, %le3A_174 : vector<4096x1xi32>
    %convert_element_type3A_176 = arith.extui %le3A_175 : vector<4096x1xi1> to vector<4096x1xi32>
    %convert_element_type3A_177 = arith.sitofp %convert_element_type3A_176 : vector<4096x1xi32> to vector<4096x1xf32>
    %mul3A_178 = vector.broadcast %convert_element_type3A_177 : vector<4096x1xf32> to vector<4096x256xf32>
    %mul3A_179 = arith.mulf %get3A_172, %mul3A_178 : vector<4096x256xf32>
    %get3A_180 = arith.constant 0 : index
    %get3A_181 = arith.constant 0 : index
    %get3A_182 = arith.constant 8 : index
    %get3A_183 = arith.constant 0 : index
    %get3A_184 = vector.load %arg3[%get3A_180, %get3A_181, %get3A_182, %get3A_183] : memref<1x128x9x256xf32, #tpu.memory_space<vmem>>, vector<1x128x1x256xf32>
    %get3A_185 = vector.shape_cast %get3A_184 : vector<1x128x1x256xf32> to vector<128x256xf32>
    %dot_general3A_186 = arith.constant dense<0.000000e+00> : vector<4096x128xf32>
    %dot_general3A_187 = tpu.matmul %mul3A_179, %get3A_185, %dot_general3A_186 {dimension_numbers = #tpu.dot_dimension_numbers<[1], [1], [0], [0], [0, 0, 1, 0], [], []>, transpose_lhs_hint = false} : vector<4096x256xf32>, vector<128x256xf32>, vector<4096x128xf32> -> vector<4096x128xf32>
    %add3A_188 = arith.addf %add3A_169, %dot_general3A_187 : vector<4096x128xf32>
    %iota3A_189 = tpu.iota {dimensions = array<i32: 1>} : vector<4096x128xi32>
    %lt3A_190 = arith.constant 100 : i32
    %lt3A_191 = vector.broadcast %lt3A_190 : i32 to vector<4096x128xi32>
    %lt3A_192 = arith.cmpi slt, %iota3A_189, %lt3A_191 : vector<4096x128xi32>
    %jit3A_193 = arith.constant -1.000000e+30 : f32
    %broadcast_in_dim3A_194 = vector.broadcast %jit3A_193 : f32 to vector<4096x128xf32>
    %select_n3A_195 = arith.select %lt3A_192, %add3A_188, %broadcast_in_dim3A_194 : vector<4096x128xi1>, vector<4096x128xf32>
    %reduce_max3A = arith.constant dense<0xFF800000> : vector<4096xf32>
    %reduce_max3A_196 = vector.multi_reduction <maximumf>, %select_n3A_195, %reduce_max3A [1] : vector<4096x128xf32> to vector<4096xf32>
    %broadcast_in_dim3A_197 = vector.shape_cast %reduce_max3A_196 : vector<4096xf32> to vector<4096x1xf32>
    %sub3A = vector.broadcast %broadcast_in_dim3A_197 : vector<4096x1xf32> to vector<4096x128xf32>
    %sub3A_198 = arith.subf %select_n3A_195, %sub3A : vector<4096x128xf32>
    %exp3A = math.exp %sub3A_198 : vector<4096x128xf32>
    %reduce_sum3A = arith.constant dense<0.000000e+00> : vector<4096xf32>
    %reduce_sum3A_199 = vector.multi_reduction <add>, %exp3A, %reduce_sum3A [1] : vector<4096x128xf32> to vector<4096xf32>
    %broadcast_in_dim3A_200 = vector.shape_cast %reduce_sum3A_199 : vector<4096xf32> to vector<4096x1xf32>
    %div3A = arith.constant 1.000000e+00 : f32
    %div3A_201 = vector.broadcast %div3A : f32 to vector<4096x1xf32>
    %div3A_202 = arith.divf %div3A_201, %broadcast_in_dim3A_200 : vector<4096x1xf32>
    %transpose3A = tpu.transpose %div3A_202, [1, 0] : vector<4096x1xf32> -> vector<1x4096xf32>
    %slice3A = vector.extract_strided_slice %div3A_202 {offsets = [0, 0], sizes = [512, 1], strides = [1, 1]} : vector<4096x1xf32> to vector<512x1xf32>
    %broadcast_in_dim3A_203 = arith.constant 0.000000e+00 : f32
    %broadcast_in_dim3A_204 = vector.broadcast %broadcast_in_dim3A_203 : f32 to vector<512x1xf32>
    %slice3A_205 = vector.extract_strided_slice %transpose3A {offsets = [0, 512], sizes = [1, 3584], strides = [1, 1]} : vector<1x4096xf32> to vector<1x3584xf32>
    %lt3A_206 = vector.broadcast %slice3A_205 : vector<1x3584xf32> to vector<512x3584xf32>
    %lt3A_207 = vector.broadcast %slice3A : vector<512x1xf32> to vector<512x3584xf32>
    %lt3A_208 = arith.cmpf olt, %lt3A_206, %lt3A_207 : vector<512x3584xf32>
    %jit3A_209 = arith.constant 1.000000e+00 : f32
    %jit3A_210 = arith.constant 0.000000e+00 : f32
    %broadcast_in_dim3A_211 = vector.broadcast %jit3A_209 : f32 to vector<512x3584xf32>
    %broadcast_in_dim3A_212 = vector.broadcast %jit3A_210 : f32 to vector<512x3584xf32>
    %select_n3A_213 = arith.select %lt3A_208, %broadcast_in_dim3A_211, %broadcast_in_dim3A_212 : vector<512x3584xi1>, vector<512x3584xf32>
    %reduce_sum3A_214 = arith.constant dense<0.000000e+00> : vector<512xf32>
    %reduce_sum3A_215 = vector.multi_reduction <add>, %select_n3A_213, %reduce_sum3A_214 [1] : vector<512x3584xf32> to vector<512xf32>
    %broadcast_in_dim3A_216 = vector.shape_cast %reduce_sum3A_215 : vector<512xf32> to vector<512x1xf32>
    %add3A_217 = arith.addf %broadcast_in_dim3A_204, %broadcast_in_dim3A_216 : vector<512x1xf32>
    %slice3A_218 = vector.extract_strided_slice %transpose3A {offsets = [0, 0], sizes = [1, 512], strides = [1, 1]} : vector<1x4096xf32> to vector<1x512xf32>
    %iota3A_219 = tpu.iota {dimensions = array<i32: 0>} : vector<512x512xi32>
    %iota3A_220 = tpu.iota {dimensions = array<i32: 1>} : vector<512x512xi32>
    %le3A_221 = vector.broadcast %slice3A_218 : vector<1x512xf32> to vector<512x512xf32>
    %le3A_222 = vector.broadcast %slice3A : vector<512x1xf32> to vector<512x512xf32>
    %le3A_223 = arith.cmpf ole, %le3A_221, %le3A_222 : vector<512x512xf32>
    %jit3A_224 = arith.constant 1.000000e+00 : f32
    %jit3A_225 = arith.constant 0.000000e+00 : f32
    %broadcast_in_dim3A_226 = vector.broadcast %jit3A_224 : f32 to vector<512x512xf32>
    %broadcast_in_dim3A_227 = vector.broadcast %jit3A_225 : f32 to vector<512x512xf32>
    %select_n3A_228 = arith.select %le3A_223, %broadcast_in_dim3A_226, %broadcast_in_dim3A_227 : vector<512x512xi1>, vector<512x512xf32>
    %lt3A_229 = vector.broadcast %slice3A_218 : vector<1x512xf32> to vector<512x512xf32>
    %lt3A_230 = vector.broadcast %slice3A : vector<512x1xf32> to vector<512x512xf32>
    %lt3A_231 = arith.cmpf olt, %lt3A_229, %lt3A_230 : vector<512x512xf32>
    %jit3A_232 = arith.constant 1.000000e+00 : f32
    %jit3A_233 = arith.constant 0.000000e+00 : f32
    %broadcast_in_dim3A_234 = vector.broadcast %jit3A_232 : f32 to vector<512x512xf32>
    %broadcast_in_dim3A_235 = vector.broadcast %jit3A_233 : f32 to vector<512x512xf32>
    %select_n3A_236 = arith.select %lt3A_231, %broadcast_in_dim3A_234, %broadcast_in_dim3A_235 : vector<512x512xi1>, vector<512x512xf32>
    %lt3A_237 = arith.cmpi slt, %iota3A_220, %iota3A_219 : vector<512x512xi32>
    %select_n3A_238 = arith.select %lt3A_237, %select_n3A_228, %select_n3A_236 : vector<512x512xi1>, vector<512x512xf32>
    %reduce_sum3A_239 = arith.constant dense<0.000000e+00> : vector<512xf32>
    %reduce_sum3A_240 = vector.multi_reduction <add>, %select_n3A_238, %reduce_sum3A_239 [1] : vector<512x512xf32> to vector<512xf32>
    %broadcast_in_dim3A_241 = vector.shape_cast %reduce_sum3A_240 : vector<512xf32> to vector<512x1xf32>
    %add3A_242 = arith.addf %add3A_217, %broadcast_in_dim3A_241 : vector<512x1xf32>
    %slice3A_243 = vector.extract_strided_slice %div3A_202 {offsets = [512, 0], sizes = [512, 1], strides = [1, 1]} : vector<4096x1xf32> to vector<512x1xf32>
    %broadcast_in_dim3A_244 = arith.constant 0.000000e+00 : f32
    %broadcast_in_dim3A_245 = vector.broadcast %broadcast_in_dim3A_244 : f32 to vector<512x1xf32>
    %slice3A_246 = vector.extract_strided_slice %transpose3A {offsets = [0, 0], sizes = [1, 512], strides = [1, 1]} : vector<1x4096xf32> to vector<1x512xf32>
    %le3A_247 = vector.broadcast %slice3A_246 : vector<1x512xf32> to vector<512x512xf32>
    %le3A_248 = vector.broadcast %slice3A_243 : vector<512x1xf32> to vector<512x512xf32>
    %le3A_249 = arith.cmpf ole, %le3A_247, %le3A_248 : vector<512x512xf32>
    %jit3A_250 = arith.constant 1.000000e+00 : f32
    %jit3A_251 = arith.constant 0.000000e+00 : f32
    %broadcast_in_dim3A_252 = vector.broadcast %jit3A_250 : f32 to vector<512x512xf32>
    %broadcast_in_dim3A_253 = vector.broadcast %jit3A_251 : f32 to vector<512x512xf32>
    %select_n3A_254 = arith.select %le3A_249, %broadcast_in_dim3A_252, %broadcast_in_dim3A_253 : vector<512x512xi1>, vector<512x512xf32>
    %reduce_sum3A_255 = arith.constant dense<0.000000e+00> : vector<512xf32>
    %reduce_sum3A_256 = vector.multi_reduction <add>, %select_n3A_254, %reduce_sum3A_255 [1] : vector<512x512xf32> to vector<512xf32>
    %broadcast_in_dim3A_257 = vector.shape_cast %reduce_sum3A_256 : vector<512xf32> to vector<512x1xf32>
    %add3A_258 = arith.addf %broadcast_in_dim3A_245, %broadcast_in_dim3A_257 : vector<512x1xf32>
    %slice3A_259 = vector.extract_strided_slice %transpose3A {offsets = [0, 1024], sizes = [1, 3072], strides = [1, 1]} : vector<1x4096xf32> to vector<1x3072xf32>
    %lt3A_260 = vector.broadcast %slice3A_259 : vector<1x3072xf32> to vector<512x3072xf32>
    %lt3A_261 = vector.broadcast %slice3A_243 : vector<512x1xf32> to vector<512x3072xf32>
    %lt3A_262 = arith.cmpf olt, %lt3A_260, %lt3A_261 : vector<512x3072xf32>
    %jit3A_263 = arith.constant 1.000000e+00 : f32
    %jit3A_264 = arith.constant 0.000000e+00 : f32
    %broadcast_in_dim3A_265 = vector.broadcast %jit3A_263 : f32 to vector<512x3072xf32>
    %broadcast_in_dim3A_266 = vector.broadcast %jit3A_264 : f32 to vector<512x3072xf32>
    %select_n3A_267 = arith.select %lt3A_262, %broadcast_in_dim3A_265, %broadcast_in_dim3A_266 : vector<512x3072xi1>, vector<512x3072xf32>
    %reduce_sum3A_268 = arith.constant dense<0.000000e+00> : vector<512xf32>
    %reduce_sum3A_269 = vector.multi_reduction <add>, %select_n3A_267, %reduce_sum3A_268 [1] : vector<512x3072xf32> to vector<512xf32>
    %broadcast_in_dim3A_270 = vector.shape_cast %reduce_sum3A_269 : vector<512xf32> to vector<512x1xf32>
    %add3A_271 = arith.addf %add3A_258, %broadcast_in_dim3A_270 : vector<512x1xf32>
    %slice3A_272 = vector.extract_strided_slice %transpose3A {offsets = [0, 512], sizes = [1, 512], strides = [1, 1]} : vector<1x4096xf32> to vector<1x512xf32>
    %iota3A_273 = tpu.iota {dimensions = array<i32: 0>} : vector<512x512xi32>
    %iota3A_274 = tpu.iota {dimensions = array<i32: 1>} : vector<512x512xi32>
    %le3A_275 = vector.broadcast %slice3A_272 : vector<1x512xf32> to vector<512x512xf32>
    %le3A_276 = vector.broadcast %slice3A_243 : vector<512x1xf32> to vector<512x512xf32>
    %le3A_277 = arith.cmpf ole, %le3A_275, %le3A_276 : vector<512x512xf32>
    %jit3A_278 = arith.constant 1.000000e+00 : f32
    %jit3A_279 = arith.constant 0.000000e+00 : f32
    %broadcast_in_dim3A_280 = vector.broadcast %jit3A_278 : f32 to vector<512x512xf32>
    %broadcast_in_dim3A_281 = vector.broadcast %jit3A_279 : f32 to vector<512x512xf32>
    %select_n3A_282 = arith.select %le3A_277, %broadcast_in_dim3A_280, %broadcast_in_dim3A_281 : vector<512x512xi1>, vector<512x512xf32>
    %lt3A_283 = vector.broadcast %slice3A_272 : vector<1x512xf32> to vector<512x512xf32>
    %lt3A_284 = vector.broadcast %slice3A_243 : vector<512x1xf32> to vector<512x512xf32>
    %lt3A_285 = arith.cmpf olt, %lt3A_283, %lt3A_284 : vector<512x512xf32>
    %jit3A_286 = arith.constant 1.000000e+00 : f32
    %jit3A_287 = arith.constant 0.000000e+00 : f32
    %broadcast_in_dim3A_288 = vector.broadcast %jit3A_286 : f32 to vector<512x512xf32>
    %broadcast_in_dim3A_289 = vector.broadcast %jit3A_287 : f32 to vector<512x512xf32>
    %select_n3A_290 = arith.select %lt3A_285, %broadcast_in_dim3A_288, %broadcast_in_dim3A_289 : vector<512x512xi1>, vector<512x512xf32>
    %lt3A_291 = arith.cmpi slt, %iota3A_274, %iota3A_273 : vector<512x512xi32>
    %select_n3A_292 = arith.select %lt3A_291, %select_n3A_282, %select_n3A_290 : vector<512x512xi1>, vector<512x512xf32>
    %reduce_sum3A_293 = arith.constant dense<0.000000e+00> : vector<512xf32>
    %reduce_sum3A_294 = vector.multi_reduction <add>, %select_n3A_292, %reduce_sum3A_293 [1] : vector<512x512xf32> to vector<512xf32>
    %broadcast_in_dim3A_295 = vector.shape_cast %reduce_sum3A_294 : vector<512xf32> to vector<512x1xf32>
    %add3A_296 = arith.addf %add3A_271, %broadcast_in_dim3A_295 : vector<512x1xf32>
    %slice3A_297 = vector.extract_strided_slice %div3A_202 {offsets = [1024, 0], sizes = [512, 1], strides = [1, 1]} : vector<4096x1xf32> to vector<512x1xf32>
    %broadcast_in_dim3A_298 = arith.constant 0.000000e+00 : f32
    %broadcast_in_dim3A_299 = vector.broadcast %broadcast_in_dim3A_298 : f32 to vector<512x1xf32>
    %slice3A_300 = vector.extract_strided_slice %transpose3A {offsets = [0, 0], sizes = [1, 1024], strides = [1, 1]} : vector<1x4096xf32> to vector<1x1024xf32>
    %le3A_301 = vector.broadcast %slice3A_300 : vector<1x1024xf32> to vector<512x1024xf32>
    %le3A_302 = vector.broadcast %slice3A_297 : vector<512x1xf32> to vector<512x1024xf32>
    %le3A_303 = arith.cmpf ole, %le3A_301, %le3A_302 : vector<512x1024xf32>
    %jit3A_304 = arith.constant 1.000000e+00 : f32
    %jit3A_305 = arith.constant 0.000000e+00 : f32
    %broadcast_in_dim3A_306 = vector.broadcast %jit3A_304 : f32 to vector<512x1024xf32>
    %broadcast_in_dim3A_307 = vector.broadcast %jit3A_305 : f32 to vector<512x1024xf32>
    %select_n3A_308 = arith.select %le3A_303, %broadcast_in_dim3A_306, %broadcast_in_dim3A_307 : vector<512x1024xi1>, vector<512x1024xf32>
    %reduce_sum3A_309 = arith.constant dense<0.000000e+00> : vector<512xf32>
    %reduce_sum3A_310 = vector.multi_reduction <add>, %select_n3A_308, %reduce_sum3A_309 [1] : vector<512x1024xf32> to vector<512xf32>
    %broadcast_in_dim3A_311 = vector.shape_cast %reduce_sum3A_310 : vector<512xf32> to vector<512x1xf32>
    %add3A_312 = arith.addf %broadcast_in_dim3A_299, %broadcast_in_dim3A_311 : vector<512x1xf32>
    %slice3A_313 = vector.extract_strided_slice %transpose3A {offsets = [0, 1536], sizes = [1, 2560], strides = [1, 1]} : vector<1x4096xf32> to vector<1x2560xf32>
    %lt3A_314 = vector.broadcast %slice3A_313 : vector<1x2560xf32> to vector<512x2560xf32>
    %lt3A_315 = vector.broadcast %slice3A_297 : vector<512x1xf32> to vector<512x2560xf32>
    %lt3A_316 = arith.cmpf olt, %lt3A_314, %lt3A_315 : vector<512x2560xf32>
    %jit3A_317 = arith.constant 1.000000e+00 : f32
    %jit3A_318 = arith.constant 0.000000e+00 : f32
    %broadcast_in_dim3A_319 = vector.broadcast %jit3A_317 : f32 to vector<512x2560xf32>
    %broadcast_in_dim3A_320 = vector.broadcast %jit3A_318 : f32 to vector<512x2560xf32>
    %select_n3A_321 = arith.select %lt3A_316, %broadcast_in_dim3A_319, %broadcast_in_dim3A_320 : vector<512x2560xi1>, vector<512x2560xf32>
    %reduce_sum3A_322 = arith.constant dense<0.000000e+00> : vector<512xf32>
    %reduce_sum3A_323 = vector.multi_reduction <add>, %select_n3A_321, %reduce_sum3A_322 [1] : vector<512x2560xf32> to vector<512xf32>
    %broadcast_in_dim3A_324 = vector.shape_cast %reduce_sum3A_323 : vector<512xf32> to vector<512x1xf32>
    %add3A_325 = arith.addf %add3A_312, %broadcast_in_dim3A_324 : vector<512x1xf32>
    %slice3A_326 = vector.extract_strided_slice %transpose3A {offsets = [0, 1024], sizes = [1, 512], strides = [1, 1]} : vector<1x4096xf32> to vector<1x512xf32>
    %iota3A_327 = tpu.iota {dimensions = array<i32: 0>} : vector<512x512xi32>
    %iota3A_328 = tpu.iota {dimensions = array<i32: 1>} : vector<512x512xi32>
    %le3A_329 = vector.broadcast %slice3A_326 : vector<1x512xf32> to vector<512x512xf32>
    %le3A_330 = vector.broadcast %slice3A_297 : vector<512x1xf32> to vector<512x512xf32>
    %le3A_331 = arith.cmpf ole, %le3A_329, %le3A_330 : vector<512x512xf32>
    %jit3A_332 = arith.constant 1.000000e+00 : f32
    %jit3A_333 = arith.constant 0.000000e+00 : f32
    %broadcast_in_dim3A_334 = vector.broadcast %jit3A_332 : f32 to vector<512x512xf32>
    %broadcast_in_dim3A_335 = vector.broadcast %jit3A_333 : f32 to vector<512x512xf32>
    %select_n3A_336 = arith.select %le3A_331, %broadcast_in_dim3A_334, %broadcast_in_dim3A_335 : vector<512x512xi1>, vector<512x512xf32>
    %lt3A_337 = vector.broadcast %slice3A_326 : vector<1x512xf32> to vector<512x512xf32>
    %lt3A_338 = vector.broadcast %slice3A_297 : vector<512x1xf32> to vector<512x512xf32>
    %lt3A_339 = arith.cmpf olt, %lt3A_337, %lt3A_338 : vector<512x512xf32>
    %jit3A_340 = arith.constant 1.000000e+00 : f32
    %jit3A_341 = arith.constant 0.000000e+00 : f32
    %broadcast_in_dim3A_342 = vector.broadcast %jit3A_340 : f32 to vector<512x512xf32>
    %broadcast_in_dim3A_343 = vector.broadcast %jit3A_341 : f32 to vector<512x512xf32>
    %select_n3A_344 = arith.select %lt3A_339, %broadcast_in_dim3A_342, %broadcast_in_dim3A_343 : vector<512x512xi1>, vector<512x512xf32>
    %lt3A_345 = arith.cmpi slt, %iota3A_328, %iota3A_327 : vector<512x512xi32>
    %select_n3A_346 = arith.select %lt3A_345, %select_n3A_336, %select_n3A_344 : vector<512x512xi1>, vector<512x512xf32>
    %reduce_sum3A_347 = arith.constant dense<0.000000e+00> : vector<512xf32>
    %reduce_sum3A_348 = vector.multi_reduction <add>, %select_n3A_346, %reduce_sum3A_347 [1] : vector<512x512xf32> to vector<512xf32>
    %broadcast_in_dim3A_349 = vector.shape_cast %reduce_sum3A_348 : vector<512xf32> to vector<512x1xf32>
    %add3A_350 = arith.addf %add3A_325, %broadcast_in_dim3A_349 : vector<512x1xf32>
    %slice3A_351 = vector.extract_strided_slice %div3A_202 {offsets = [1536, 0], sizes = [512, 1], strides = [1, 1]} : vector<4096x1xf32> to vector<512x1xf32>
    %broadcast_in_dim3A_352 = arith.constant 0.000000e+00 : f32
    %broadcast_in_dim3A_353 = vector.broadcast %broadcast_in_dim3A_352 : f32 to vector<512x1xf32>
    %slice3A_354 = vector.extract_strided_slice %transpose3A {offsets = [0, 0], sizes = [1, 1536], strides = [1, 1]} : vector<1x4096xf32> to vector<1x1536xf32>
    %le3A_355 = vector.broadcast %slice3A_354 : vector<1x1536xf32> to vector<512x1536xf32>
    %le3A_356 = vector.broadcast %slice3A_351 : vector<512x1xf32> to vector<512x1536xf32>
    %le3A_357 = arith.cmpf ole, %le3A_355, %le3A_356 : vector<512x1536xf32>
    %jit3A_358 = arith.constant 1.000000e+00 : f32
    %jit3A_359 = arith.constant 0.000000e+00 : f32
    %broadcast_in_dim3A_360 = vector.broadcast %jit3A_358 : f32 to vector<512x1536xf32>
    %broadcast_in_dim3A_361 = vector.broadcast %jit3A_359 : f32 to vector<512x1536xf32>
    %select_n3A_362 = arith.select %le3A_357, %broadcast_in_dim3A_360, %broadcast_in_dim3A_361 : vector<512x1536xi1>, vector<512x1536xf32>
    %reduce_sum3A_363 = arith.constant dense<0.000000e+00> : vector<512xf32>
    %reduce_sum3A_364 = vector.multi_reduction <add>, %select_n3A_362, %reduce_sum3A_363 [1] : vector<512x1536xf32> to vector<512xf32>
    %broadcast_in_dim3A_365 = vector.shape_cast %reduce_sum3A_364 : vector<512xf32> to vector<512x1xf32>
    %add3A_366 = arith.addf %broadcast_in_dim3A_353, %broadcast_in_dim3A_365 : vector<512x1xf32>
    %slice3A_367 = vector.extract_strided_slice %transpose3A {offsets = [0, 2048], sizes = [1, 2048], strides = [1, 1]} : vector<1x4096xf32> to vector<1x2048xf32>
    %lt3A_368 = vector.broadcast %slice3A_367 : vector<1x2048xf32> to vector<512x2048xf32>
    %lt3A_369 = vector.broadcast %slice3A_351 : vector<512x1xf32> to vector<512x2048xf32>
    %lt3A_370 = arith.cmpf olt, %lt3A_368, %lt3A_369 : vector<512x2048xf32>
    %jit3A_371 = arith.constant 1.000000e+00 : f32
    %jit3A_372 = arith.constant 0.000000e+00 : f32
    %broadcast_in_dim3A_373 = vector.broadcast %jit3A_371 : f32 to vector<512x2048xf32>
    %broadcast_in_dim3A_374 = vector.broadcast %jit3A_372 : f32 to vector<512x2048xf32>
    %select_n3A_375 = arith.select %lt3A_370, %broadcast_in_dim3A_373, %broadcast_in_dim3A_374 : vector<512x2048xi1>, vector<512x2048xf32>
    %reduce_sum3A_376 = arith.constant dense<0.000000e+00> : vector<512xf32>
    %reduce_sum3A_377 = vector.multi_reduction <add>, %select_n3A_375, %reduce_sum3A_376 [1] : vector<512x2048xf32> to vector<512xf32>
    %broadcast_in_dim3A_378 = vector.shape_cast %reduce_sum3A_377 : vector<512xf32> to vector<512x1xf32>
    %add3A_379 = arith.addf %add3A_366, %broadcast_in_dim3A_378 : vector<512x1xf32>
    %slice3A_380 = vector.extract_strided_slice %transpose3A {offsets = [0, 1536], sizes = [1, 512], strides = [1, 1]} : vector<1x4096xf32> to vector<1x512xf32>
    %iota3A_381 = tpu.iota {dimensions = array<i32: 0>} : vector<512x512xi32>
    %iota3A_382 = tpu.iota {dimensions = array<i32: 1>} : vector<512x512xi32>
    %le3A_383 = vector.broadcast %slice3A_380 : vector<1x512xf32> to vector<512x512xf32>
    %le3A_384 = vector.broadcast %slice3A_351 : vector<512x1xf32> to vector<512x512xf32>
    %le3A_385 = arith.cmpf ole, %le3A_383, %le3A_384 : vector<512x512xf32>
    %jit3A_386 = arith.constant 1.000000e+00 : f32
    %jit3A_387 = arith.constant 0.000000e+00 : f32
    %broadcast_in_dim3A_388 = vector.broadcast %jit3A_386 : f32 to vector<512x512xf32>
    %broadcast_in_dim3A_389 = vector.broadcast %jit3A_387 : f32 to vector<512x512xf32>
    %select_n3A_390 = arith.select %le3A_385, %broadcast_in_dim3A_388, %broadcast_in_dim3A_389 : vector<512x512xi1>, vector<512x512xf32>
    %lt3A_391 = vector.broadcast %slice3A_380 : vector<1x512xf32> to vector<512x512xf32>
    %lt3A_392 = vector.broadcast %slice3A_351 : vector<512x1xf32> to vector<512x512xf32>
    %lt3A_393 = arith.cmpf olt, %lt3A_391, %lt3A_392 : vector<512x512xf32>
    %jit3A_394 = arith.constant 1.000000e+00 : f32
    %jit3A_395 = arith.constant 0.000000e+00 : f32
    %broadcast_in_dim3A_396 = vector.broadcast %jit3A_394 : f32 to vector<512x512xf32>
    %broadcast_in_dim3A_397 = vector.broadcast %jit3A_395 : f32 to vector<512x512xf32>
    %select_n3A_398 = arith.select %lt3A_393, %broadcast_in_dim3A_396, %broadcast_in_dim3A_397 : vector<512x512xi1>, vector<512x512xf32>
    %lt3A_399 = arith.cmpi slt, %iota3A_382, %iota3A_381 : vector<512x512xi32>
    %select_n3A_400 = arith.select %lt3A_399, %select_n3A_390, %select_n3A_398 : vector<512x512xi1>, vector<512x512xf32>
    %reduce_sum3A_401 = arith.constant dense<0.000000e+00> : vector<512xf32>
    %reduce_sum3A_402 = vector.multi_reduction <add>, %select_n3A_400, %reduce_sum3A_401 [1] : vector<512x512xf32> to vector<512xf32>
    %broadcast_in_dim3A_403 = vector.shape_cast %reduce_sum3A_402 : vector<512xf32> to vector<512x1xf32>
    %add3A_404 = arith.addf %add3A_379, %broadcast_in_dim3A_403 : vector<512x1xf32>
    %slice3A_405 = vector.extract_strided_slice %div3A_202 {offsets = [2048, 0], sizes = [512, 1], strides = [1, 1]} : vector<4096x1xf32> to vector<512x1xf32>
    %broadcast_in_dim3A_406 = arith.constant 0.000000e+00 : f32
    %broadcast_in_dim3A_407 = vector.broadcast %broadcast_in_dim3A_406 : f32 to vector<512x1xf32>
    %slice3A_408 = vector.extract_strided_slice %transpose3A {offsets = [0, 0], sizes = [1, 2048], strides = [1, 1]} : vector<1x4096xf32> to vector<1x2048xf32>
    %le3A_409 = vector.broadcast %slice3A_408 : vector<1x2048xf32> to vector<512x2048xf32>
    %le3A_410 = vector.broadcast %slice3A_405 : vector<512x1xf32> to vector<512x2048xf32>
    %le3A_411 = arith.cmpf ole, %le3A_409, %le3A_410 : vector<512x2048xf32>
    %jit3A_412 = arith.constant 1.000000e+00 : f32
    %jit3A_413 = arith.constant 0.000000e+00 : f32
    %broadcast_in_dim3A_414 = vector.broadcast %jit3A_412 : f32 to vector<512x2048xf32>
    %broadcast_in_dim3A_415 = vector.broadcast %jit3A_413 : f32 to vector<512x2048xf32>
    %select_n3A_416 = arith.select %le3A_411, %broadcast_in_dim3A_414, %broadcast_in_dim3A_415 : vector<512x2048xi1>, vector<512x2048xf32>
    %reduce_sum3A_417 = arith.constant dense<0.000000e+00> : vector<512xf32>
    %reduce_sum3A_418 = vector.multi_reduction <add>, %select_n3A_416, %reduce_sum3A_417 [1] : vector<512x2048xf32> to vector<512xf32>
    %broadcast_in_dim3A_419 = vector.shape_cast %reduce_sum3A_418 : vector<512xf32> to vector<512x1xf32>
    %add3A_420 = arith.addf %broadcast_in_dim3A_407, %broadcast_in_dim3A_419 : vector<512x1xf32>
    %slice3A_421 = vector.extract_strided_slice %transpose3A {offsets = [0, 2560], sizes = [1, 1536], strides = [1, 1]} : vector<1x4096xf32> to vector<1x1536xf32>
    %lt3A_422 = vector.broadcast %slice3A_421 : vector<1x1536xf32> to vector<512x1536xf32>
    %lt3A_423 = vector.broadcast %slice3A_405 : vector<512x1xf32> to vector<512x1536xf32>
    %lt3A_424 = arith.cmpf olt, %lt3A_422, %lt3A_423 : vector<512x1536xf32>
    %jit3A_425 = arith.constant 1.000000e+00 : f32
    %jit3A_426 = arith.constant 0.000000e+00 : f32
    %broadcast_in_dim3A_427 = vector.broadcast %jit3A_425 : f32 to vector<512x1536xf32>
    %broadcast_in_dim3A_428 = vector.broadcast %jit3A_426 : f32 to vector<512x1536xf32>
    %select_n3A_429 = arith.select %lt3A_424, %broadcast_in_dim3A_427, %broadcast_in_dim3A_428 : vector<512x1536xi1>, vector<512x1536xf32>
    %reduce_sum3A_430 = arith.constant dense<0.000000e+00> : vector<512xf32>
    %reduce_sum3A_431 = vector.multi_reduction <add>, %select_n3A_429, %reduce_sum3A_430 [1] : vector<512x1536xf32> to vector<512xf32>
    %broadcast_in_dim3A_432 = vector.shape_cast %reduce_sum3A_431 : vector<512xf32> to vector<512x1xf32>
    %add3A_433 = arith.addf %add3A_420, %broadcast_in_dim3A_432 : vector<512x1xf32>
    %slice3A_434 = vector.extract_strided_slice %transpose3A {offsets = [0, 2048], sizes = [1, 512], strides = [1, 1]} : vector<1x4096xf32> to vector<1x512xf32>
    %iota3A_435 = tpu.iota {dimensions = array<i32: 0>} : vector<512x512xi32>
    %iota3A_436 = tpu.iota {dimensions = array<i32: 1>} : vector<512x512xi32>
    %le3A_437 = vector.broadcast %slice3A_434 : vector<1x512xf32> to vector<512x512xf32>
    %le3A_438 = vector.broadcast %slice3A_405 : vector<512x1xf32> to vector<512x512xf32>
    %le3A_439 = arith.cmpf ole, %le3A_437, %le3A_438 : vector<512x512xf32>
    %jit3A_440 = arith.constant 1.000000e+00 : f32
    %jit3A_441 = arith.constant 0.000000e+00 : f32
    %broadcast_in_dim3A_442 = vector.broadcast %jit3A_440 : f32 to vector<512x512xf32>
    %broadcast_in_dim3A_443 = vector.broadcast %jit3A_441 : f32 to vector<512x512xf32>
    %select_n3A_444 = arith.select %le3A_439, %broadcast_in_dim3A_442, %broadcast_in_dim3A_443 : vector<512x512xi1>, vector<512x512xf32>
    %lt3A_445 = vector.broadcast %slice3A_434 : vector<1x512xf32> to vector<512x512xf32>
    %lt3A_446 = vector.broadcast %slice3A_405 : vector<512x1xf32> to vector<512x512xf32>
    %lt3A_447 = arith.cmpf olt, %lt3A_445, %lt3A_446 : vector<512x512xf32>
    %jit3A_448 = arith.constant 1.000000e+00 : f32
    %jit3A_449 = arith.constant 0.000000e+00 : f32
    %broadcast_in_dim3A_450 = vector.broadcast %jit3A_448 : f32 to vector<512x512xf32>
    %broadcast_in_dim3A_451 = vector.broadcast %jit3A_449 : f32 to vector<512x512xf32>
    %select_n3A_452 = arith.select %lt3A_447, %broadcast_in_dim3A_450, %broadcast_in_dim3A_451 : vector<512x512xi1>, vector<512x512xf32>
    %lt3A_453 = arith.cmpi slt, %iota3A_436, %iota3A_435 : vector<512x512xi32>
    %select_n3A_454 = arith.select %lt3A_453, %select_n3A_444, %select_n3A_452 : vector<512x512xi1>, vector<512x512xf32>
    %reduce_sum3A_455 = arith.constant dense<0.000000e+00> : vector<512xf32>
    %reduce_sum3A_456 = vector.multi_reduction <add>, %select_n3A_454, %reduce_sum3A_455 [1] : vector<512x512xf32> to vector<512xf32>
    %broadcast_in_dim3A_457 = vector.shape_cast %reduce_sum3A_456 : vector<512xf32> to vector<512x1xf32>
    %add3A_458 = arith.addf %add3A_433, %broadcast_in_dim3A_457 : vector<512x1xf32>
    %slice3A_459 = vector.extract_strided_slice %div3A_202 {offsets = [2560, 0], sizes = [512, 1], strides = [1, 1]} : vector<4096x1xf32> to vector<512x1xf32>
    %broadcast_in_dim3A_460 = arith.constant 0.000000e+00 : f32
    %broadcast_in_dim3A_461 = vector.broadcast %broadcast_in_dim3A_460 : f32 to vector<512x1xf32>
    %slice3A_462 = vector.extract_strided_slice %transpose3A {offsets = [0, 0], sizes = [1, 2560], strides = [1, 1]} : vector<1x4096xf32> to vector<1x2560xf32>
    %le3A_463 = vector.broadcast %slice3A_462 : vector<1x2560xf32> to vector<512x2560xf32>
    %le3A_464 = vector.broadcast %slice3A_459 : vector<512x1xf32> to vector<512x2560xf32>
    %le3A_465 = arith.cmpf ole, %le3A_463, %le3A_464 : vector<512x2560xf32>
    %jit3A_466 = arith.constant 1.000000e+00 : f32
    %jit3A_467 = arith.constant 0.000000e+00 : f32
    %broadcast_in_dim3A_468 = vector.broadcast %jit3A_466 : f32 to vector<512x2560xf32>
    %broadcast_in_dim3A_469 = vector.broadcast %jit3A_467 : f32 to vector<512x2560xf32>
    %select_n3A_470 = arith.select %le3A_465, %broadcast_in_dim3A_468, %broadcast_in_dim3A_469 : vector<512x2560xi1>, vector<512x2560xf32>
    %reduce_sum3A_471 = arith.constant dense<0.000000e+00> : vector<512xf32>
    %reduce_sum3A_472 = vector.multi_reduction <add>, %select_n3A_470, %reduce_sum3A_471 [1] : vector<512x2560xf32> to vector<512xf32>
    %broadcast_in_dim3A_473 = vector.shape_cast %reduce_sum3A_472 : vector<512xf32> to vector<512x1xf32>
    %add3A_474 = arith.addf %broadcast_in_dim3A_461, %broadcast_in_dim3A_473 : vector<512x1xf32>
    %slice3A_475 = vector.extract_strided_slice %transpose3A {offsets = [0, 3072], sizes = [1, 1024], strides = [1, 1]} : vector<1x4096xf32> to vector<1x1024xf32>
    %lt3A_476 = vector.broadcast %slice3A_475 : vector<1x1024xf32> to vector<512x1024xf32>
    %lt3A_477 = vector.broadcast %slice3A_459 : vector<512x1xf32> to vector<512x1024xf32>
    %lt3A_478 = arith.cmpf olt, %lt3A_476, %lt3A_477 : vector<512x1024xf32>
    %jit3A_479 = arith.constant 1.000000e+00 : f32
    %jit3A_480 = arith.constant 0.000000e+00 : f32
    %broadcast_in_dim3A_481 = vector.broadcast %jit3A_479 : f32 to vector<512x1024xf32>
    %broadcast_in_dim3A_482 = vector.broadcast %jit3A_480 : f32 to vector<512x1024xf32>
    %select_n3A_483 = arith.select %lt3A_478, %broadcast_in_dim3A_481, %broadcast_in_dim3A_482 : vector<512x1024xi1>, vector<512x1024xf32>
    %reduce_sum3A_484 = arith.constant dense<0.000000e+00> : vector<512xf32>
    %reduce_sum3A_485 = vector.multi_reduction <add>, %select_n3A_483, %reduce_sum3A_484 [1] : vector<512x1024xf32> to vector<512xf32>
    %broadcast_in_dim3A_486 = vector.shape_cast %reduce_sum3A_485 : vector<512xf32> to vector<512x1xf32>
    %add3A_487 = arith.addf %add3A_474, %broadcast_in_dim3A_486 : vector<512x1xf32>
    %slice3A_488 = vector.extract_strided_slice %transpose3A {offsets = [0, 2560], sizes = [1, 512], strides = [1, 1]} : vector<1x4096xf32> to vector<1x512xf32>
    %iota3A_489 = tpu.iota {dimensions = array<i32: 0>} : vector<512x512xi32>
    %iota3A_490 = tpu.iota {dimensions = array<i32: 1>} : vector<512x512xi32>
    %le3A_491 = vector.broadcast %slice3A_488 : vector<1x512xf32> to vector<512x512xf32>
    %le3A_492 = vector.broadcast %slice3A_459 : vector<512x1xf32> to vector<512x512xf32>
    %le3A_493 = arith.cmpf ole, %le3A_491, %le3A_492 : vector<512x512xf32>
    %jit3A_494 = arith.constant 1.000000e+00 : f32
    %jit3A_495 = arith.constant 0.000000e+00 : f32
    %broadcast_in_dim3A_496 = vector.broadcast %jit3A_494 : f32 to vector<512x512xf32>
    %broadcast_in_dim3A_497 = vector.broadcast %jit3A_495 : f32 to vector<512x512xf32>
    %select_n3A_498 = arith.select %le3A_493, %broadcast_in_dim3A_496, %broadcast_in_dim3A_497 : vector<512x512xi1>, vector<512x512xf32>
    %lt3A_499 = vector.broadcast %slice3A_488 : vector<1x512xf32> to vector<512x512xf32>
    %lt3A_500 = vector.broadcast %slice3A_459 : vector<512x1xf32> to vector<512x512xf32>
    %lt3A_501 = arith.cmpf olt, %lt3A_499, %lt3A_500 : vector<512x512xf32>
    %jit3A_502 = arith.constant 1.000000e+00 : f32
    %jit3A_503 = arith.constant 0.000000e+00 : f32
    %broadcast_in_dim3A_504 = vector.broadcast %jit3A_502 : f32 to vector<512x512xf32>
    %broadcast_in_dim3A_505 = vector.broadcast %jit3A_503 : f32 to vector<512x512xf32>
    %select_n3A_506 = arith.select %lt3A_501, %broadcast_in_dim3A_504, %broadcast_in_dim3A_505 : vector<512x512xi1>, vector<512x512xf32>
    %lt3A_507 = arith.cmpi slt, %iota3A_490, %iota3A_489 : vector<512x512xi32>
    %select_n3A_508 = arith.select %lt3A_507, %select_n3A_498, %select_n3A_506 : vector<512x512xi1>, vector<512x512xf32>
    %reduce_sum3A_509 = arith.constant dense<0.000000e+00> : vector<512xf32>
    %reduce_sum3A_510 = vector.multi_reduction <add>, %select_n3A_508, %reduce_sum3A_509 [1] : vector<512x512xf32> to vector<512xf32>
    %broadcast_in_dim3A_511 = vector.shape_cast %reduce_sum3A_510 : vector<512xf32> to vector<512x1xf32>
    %add3A_512 = arith.addf %add3A_487, %broadcast_in_dim3A_511 : vector<512x1xf32>
    %slice3A_513 = vector.extract_strided_slice %div3A_202 {offsets = [3072, 0], sizes = [512, 1], strides = [1, 1]} : vector<4096x1xf32> to vector<512x1xf32>
    %broadcast_in_dim3A_514 = arith.constant 0.000000e+00 : f32
    %broadcast_in_dim3A_515 = vector.broadcast %broadcast_in_dim3A_514 : f32 to vector<512x1xf32>
    %slice3A_516 = vector.extract_strided_slice %transpose3A {offsets = [0, 0], sizes = [1, 3072], strides = [1, 1]} : vector<1x4096xf32> to vector<1x3072xf32>
    %le3A_517 = vector.broadcast %slice3A_516 : vector<1x3072xf32> to vector<512x3072xf32>
    %le3A_518 = vector.broadcast %slice3A_513 : vector<512x1xf32> to vector<512x3072xf32>
    %le3A_519 = arith.cmpf ole, %le3A_517, %le3A_518 : vector<512x3072xf32>
    %jit3A_520 = arith.constant 1.000000e+00 : f32
    %jit3A_521 = arith.constant 0.000000e+00 : f32
    %broadcast_in_dim3A_522 = vector.broadcast %jit3A_520 : f32 to vector<512x3072xf32>
    %broadcast_in_dim3A_523 = vector.broadcast %jit3A_521 : f32 to vector<512x3072xf32>
    %select_n3A_524 = arith.select %le3A_519, %broadcast_in_dim3A_522, %broadcast_in_dim3A_523 : vector<512x3072xi1>, vector<512x3072xf32>
    %reduce_sum3A_525 = arith.constant dense<0.000000e+00> : vector<512xf32>
    %reduce_sum3A_526 = vector.multi_reduction <add>, %select_n3A_524, %reduce_sum3A_525 [1] : vector<512x3072xf32> to vector<512xf32>
    %broadcast_in_dim3A_527 = vector.shape_cast %reduce_sum3A_526 : vector<512xf32> to vector<512x1xf32>
    %add3A_528 = arith.addf %broadcast_in_dim3A_515, %broadcast_in_dim3A_527 : vector<512x1xf32>
    %slice3A_529 = vector.extract_strided_slice %transpose3A {offsets = [0, 3584], sizes = [1, 512], strides = [1, 1]} : vector<1x4096xf32> to vector<1x512xf32>
    %lt3A_530 = vector.broadcast %slice3A_529 : vector<1x512xf32> to vector<512x512xf32>
    %lt3A_531 = vector.broadcast %slice3A_513 : vector<512x1xf32> to vector<512x512xf32>
    %lt3A_532 = arith.cmpf olt, %lt3A_530, %lt3A_531 : vector<512x512xf32>
    %jit3A_533 = arith.constant 1.000000e+00 : f32
    %jit3A_534 = arith.constant 0.000000e+00 : f32
    %broadcast_in_dim3A_535 = vector.broadcast %jit3A_533 : f32 to vector<512x512xf32>
    %broadcast_in_dim3A_536 = vector.broadcast %jit3A_534 : f32 to vector<512x512xf32>
    %select_n3A_537 = arith.select %lt3A_532, %broadcast_in_dim3A_535, %broadcast_in_dim3A_536 : vector<512x512xi1>, vector<512x512xf32>
    %reduce_sum3A_538 = arith.constant dense<0.000000e+00> : vector<512xf32>
    %reduce_sum3A_539 = vector.multi_reduction <add>, %select_n3A_537, %reduce_sum3A_538 [1] : vector<512x512xf32> to vector<512xf32>
    %broadcast_in_dim3A_540 = vector.shape_cast %reduce_sum3A_539 : vector<512xf32> to vector<512x1xf32>
    %add3A_541 = arith.addf %add3A_528, %broadcast_in_dim3A_540 : vector<512x1xf32>
    %slice3A_542 = vector.extract_strided_slice %transpose3A {offsets = [0, 3072], sizes = [1, 512], strides = [1, 1]} : vector<1x4096xf32> to vector<1x512xf32>
    %iota3A_543 = tpu.iota {dimensions = array<i32: 0>} : vector<512x512xi32>
    %iota3A_544 = tpu.iota {dimensions = array<i32: 1>} : vector<512x512xi32>
    %le3A_545 = vector.broadcast %slice3A_542 : vector<1x512xf32> to vector<512x512xf32>
    %le3A_546 = vector.broadcast %slice3A_513 : vector<512x1xf32> to vector<512x512xf32>
    %le3A_547 = arith.cmpf ole, %le3A_545, %le3A_546 : vector<512x512xf32>
    %jit3A_548 = arith.constant 1.000000e+00 : f32
    %jit3A_549 = arith.constant 0.000000e+00 : f32
    %broadcast_in_dim3A_550 = vector.broadcast %jit3A_548 : f32 to vector<512x512xf32>
    %broadcast_in_dim3A_551 = vector.broadcast %jit3A_549 : f32 to vector<512x512xf32>
    %select_n3A_552 = arith.select %le3A_547, %broadcast_in_dim3A_550, %broadcast_in_dim3A_551 : vector<512x512xi1>, vector<512x512xf32>
    %lt3A_553 = vector.broadcast %slice3A_542 : vector<1x512xf32> to vector<512x512xf32>
    %lt3A_554 = vector.broadcast %slice3A_513 : vector<512x1xf32> to vector<512x512xf32>
    %lt3A_555 = arith.cmpf olt, %lt3A_553, %lt3A_554 : vector<512x512xf32>
    %jit3A_556 = arith.constant 1.000000e+00 : f32
    %jit3A_557 = arith.constant 0.000000e+00 : f32
    %broadcast_in_dim3A_558 = vector.broadcast %jit3A_556 : f32 to vector<512x512xf32>
    %broadcast_in_dim3A_559 = vector.broadcast %jit3A_557 : f32 to vector<512x512xf32>
    %select_n3A_560 = arith.select %lt3A_555, %broadcast_in_dim3A_558, %broadcast_in_dim3A_559 : vector<512x512xi1>, vector<512x512xf32>
    %lt3A_561 = arith.cmpi slt, %iota3A_544, %iota3A_543 : vector<512x512xi32>
    %select_n3A_562 = arith.select %lt3A_561, %select_n3A_552, %select_n3A_560 : vector<512x512xi1>, vector<512x512xf32>
    %reduce_sum3A_563 = arith.constant dense<0.000000e+00> : vector<512xf32>
    %reduce_sum3A_564 = vector.multi_reduction <add>, %select_n3A_562, %reduce_sum3A_563 [1] : vector<512x512xf32> to vector<512xf32>
    %broadcast_in_dim3A_565 = vector.shape_cast %reduce_sum3A_564 : vector<512xf32> to vector<512x1xf32>
    %add3A_566 = arith.addf %add3A_541, %broadcast_in_dim3A_565 : vector<512x1xf32>
    %slice3A_567 = vector.extract_strided_slice %div3A_202 {offsets = [3584, 0], sizes = [512, 1], strides = [1, 1]} : vector<4096x1xf32> to vector<512x1xf32>
    %broadcast_in_dim3A_568 = arith.constant 0.000000e+00 : f32
    %broadcast_in_dim3A_569 = vector.broadcast %broadcast_in_dim3A_568 : f32 to vector<512x1xf32>
    %slice3A_570 = vector.extract_strided_slice %transpose3A {offsets = [0, 0], sizes = [1, 3584], strides = [1, 1]} : vector<1x4096xf32> to vector<1x3584xf32>
    %le3A_571 = vector.broadcast %slice3A_570 : vector<1x3584xf32> to vector<512x3584xf32>
    %le3A_572 = vector.broadcast %slice3A_567 : vector<512x1xf32> to vector<512x3584xf32>
    %le3A_573 = arith.cmpf ole, %le3A_571, %le3A_572 : vector<512x3584xf32>
    %jit3A_574 = arith.constant 1.000000e+00 : f32
    %jit3A_575 = arith.constant 0.000000e+00 : f32
    %broadcast_in_dim3A_576 = vector.broadcast %jit3A_574 : f32 to vector<512x3584xf32>
    %broadcast_in_dim3A_577 = vector.broadcast %jit3A_575 : f32 to vector<512x3584xf32>
    %select_n3A_578 = arith.select %le3A_573, %broadcast_in_dim3A_576, %broadcast_in_dim3A_577 : vector<512x3584xi1>, vector<512x3584xf32>
    %reduce_sum3A_579 = arith.constant dense<0.000000e+00> : vector<512xf32>
    %reduce_sum3A_580 = vector.multi_reduction <add>, %select_n3A_578, %reduce_sum3A_579 [1] : vector<512x3584xf32> to vector<512xf32>
    %broadcast_in_dim3A_581 = vector.shape_cast %reduce_sum3A_580 : vector<512xf32> to vector<512x1xf32>
    %add3A_582 = arith.addf %broadcast_in_dim3A_569, %broadcast_in_dim3A_581 : vector<512x1xf32>
    %slice3A_583 = vector.extract_strided_slice %transpose3A {offsets = [0, 3584], sizes = [1, 512], strides = [1, 1]} : vector<1x4096xf32> to vector<1x512xf32>
    %iota3A_584 = tpu.iota {dimensions = array<i32: 0>} : vector<512x512xi32>
    %iota3A_585 = tpu.iota {dimensions = array<i32: 1>} : vector<512x512xi32>
    %le3A_586 = vector.broadcast %slice3A_583 : vector<1x512xf32> to vector<512x512xf32>
    %le3A_587 = vector.broadcast %slice3A_567 : vector<512x1xf32> to vector<512x512xf32>
    %le3A_588 = arith.cmpf ole, %le3A_586, %le3A_587 : vector<512x512xf32>
    %jit3A_589 = arith.constant 1.000000e+00 : f32
    %jit3A_590 = arith.constant 0.000000e+00 : f32
    %broadcast_in_dim3A_591 = vector.broadcast %jit3A_589 : f32 to vector<512x512xf32>
    %broadcast_in_dim3A_592 = vector.broadcast %jit3A_590 : f32 to vector<512x512xf32>
    %select_n3A_593 = arith.select %le3A_588, %broadcast_in_dim3A_591, %broadcast_in_dim3A_592 : vector<512x512xi1>, vector<512x512xf32>
    %lt3A_594 = vector.broadcast %slice3A_583 : vector<1x512xf32> to vector<512x512xf32>
    %lt3A_595 = vector.broadcast %slice3A_567 : vector<512x1xf32> to vector<512x512xf32>
    %lt3A_596 = arith.cmpf olt, %lt3A_594, %lt3A_595 : vector<512x512xf32>
    %jit3A_597 = arith.constant 1.000000e+00 : f32
    %jit3A_598 = arith.constant 0.000000e+00 : f32
    %broadcast_in_dim3A_599 = vector.broadcast %jit3A_597 : f32 to vector<512x512xf32>
    %broadcast_in_dim3A_600 = vector.broadcast %jit3A_598 : f32 to vector<512x512xf32>
    %select_n3A_601 = arith.select %lt3A_596, %broadcast_in_dim3A_599, %broadcast_in_dim3A_600 : vector<512x512xi1>, vector<512x512xf32>
    %lt3A_602 = arith.cmpi slt, %iota3A_585, %iota3A_584 : vector<512x512xi32>
    %select_n3A_603 = arith.select %lt3A_602, %select_n3A_593, %select_n3A_601 : vector<512x512xi1>, vector<512x512xf32>
    %reduce_sum3A_604 = arith.constant dense<0.000000e+00> : vector<512xf32>
    %reduce_sum3A_605 = vector.multi_reduction <add>, %select_n3A_603, %reduce_sum3A_604 [1] : vector<512x512xf32> to vector<512xf32>
    %broadcast_in_dim3A_606 = vector.shape_cast %reduce_sum3A_605 : vector<512xf32> to vector<512x1xf32>
    %add3A_607 = arith.addf %add3A_582, %broadcast_in_dim3A_606 : vector<512x1xf32>
    %concatenate3A = tpu.concatenate %add3A_242, %add3A_296, %add3A_350, %add3A_404, %add3A_458, %add3A_512, %add3A_566, %add3A_607 in 0 : vector<512x1xf32>, vector<512x1xf32>, vector<512x1xf32>, vector<512x1xf32>, vector<512x1xf32>, vector<512x1xf32>, vector<512x1xf32>, vector<512x1xf32> -> vector<4096x1xf32>
    %iota3A_608 = tpu.iota {dimensions = array<i32: 1>} : vector<4096x128xi32>
    %convert_element_type3A_609 = arith.sitofp %iota3A_608 : vector<4096x128xi32> to vector<4096x128xf32>
    %iota3A_610 = tpu.iota {dimensions = array<i32: 0>} : vector<4096x128xi32>
    %convert_element_type3A_611 = arith.sitofp %iota3A_610 : vector<4096x128xi32> to vector<4096x128xf32>
    %eq3A_612 = vector.broadcast %concatenate3A : vector<4096x1xf32> to vector<4096x128xf32>
    %eq3A_613 = arith.cmpf oeq, %eq3A_612, %convert_element_type3A_609 : vector<4096x128xf32>
    %jit3A_614 = arith.constant 0.000000e+00 : f32
    %broadcast_in_dim3A_615 = vector.broadcast %jit3A_614 : f32 to vector<4096x128xf32>
    %select_n3A_616 = arith.select %eq3A_613, %convert_element_type3A_611, %broadcast_in_dim3A_615 : vector<4096x128xi1>, vector<4096x128xf32>
    %reduce_sum3A_617 = arith.constant dense<0.000000e+00> : vector<128xf32>
    %reduce_sum3A_618 = vector.multi_reduction <add>, %select_n3A_616, %reduce_sum3A_617 [0] : vector<4096x128xf32> to vector<128xf32>
    %broadcast_in_dim3A_619 = vector.shape_cast %reduce_sum3A_618 : vector<128xf32> to vector<1x128xf32>
    %convert_element_type3A_620 = arith.fptosi %broadcast_in_dim3A_619 : vector<1x128xf32> to vector<1x128xi32>
    %jit3A_621 = arith.constant 64 : i32
    %eq3A_622 = arith.constant 0 : i32
    %eq3A_623 = arith.cmpi eq, %jit3A_621, %eq3A_622 : i32
    %jit3A_624 = arith.constant 1 : i32
    %select_n3A_625 = arith.select %eq3A_623, %jit3A_624, %jit3A_621 : i32
    %rem3A_626 = vector.broadcast %select_n3A_625 : i32 to vector<1x128xi32>
    %rem3A_627 = arith.remsi %convert_element_type3A_620, %rem3A_626 : vector<1x128xi32>
    %ne3A_628 = arith.constant 0 : i32
    %ne3A_629 = vector.broadcast %ne3A_628 : i32 to vector<1x128xi32>
    %ne3A_630 = arith.cmpi ne, %rem3A_627, %ne3A_629 : vector<1x128xi32>
    %lt3A_631 = arith.constant 0 : i32
    %lt3A_632 = vector.broadcast %lt3A_631 : i32 to vector<1x128xi32>
    %lt3A_633 = arith.cmpi slt, %rem3A_627, %lt3A_632 : vector<1x128xi32>
    %lt3A_634 = arith.constant 0 : i32
    %lt3A_635 = arith.cmpi slt, %select_n3A_625, %lt3A_634 : i32
    %ne3A_636 = vector.broadcast %lt3A_635 : i1 to vector<1x128xi1>
    %ne3A_637 = vector.broadcast %ne3A_636 : vector<1x128xi1> to vector<1x128xi1>
    %ne3A_638 = arith.xori %lt3A_633, %ne3A_637 : vector<1x128xi1>
    %and3A_639 = arith.andi %ne3A_638, %ne3A_630 : vector<1x128xi1>
    %add3A_640 = vector.broadcast %select_n3A_625 : i32 to vector<1x128xi32>
    %add3A_641 = arith.addi %rem3A_627, %add3A_640 : vector<1x128xi32>
    %select_n3A_642 = arith.select %and3A_639, %add3A_641, %rem3A_627 : vector<1x128xi1>, vector<1x128xi32>
    %add3A_643 = arith.constant 7 : i32
    %add3A_644 = vector.broadcast %add3A_643 : i32 to vector<1x128xi32>
    %add3A_645 = arith.addi %convert_element_type3A_620, %add3A_644 : vector<1x128xi32>
    %ge3A_646 = arith.constant 1 : i32
    %ge3A_647 = vector.broadcast %ge3A_646 : i32 to vector<1x128xi32>
    %ge3A_648 = arith.cmpi sge, %select_n3A_642, %ge3A_647 : vector<1x128xi32>
    %jit3A_649 = arith.constant 0 : i32
    %broadcast_in_dim3A_650 = vector.broadcast %jit3A_649 : i32 to vector<1x128xi32>
    %select_n3A_651 = arith.select %ge3A_648, %add3A_645, %broadcast_in_dim3A_650 : vector<1x128xi1>, vector<1x128xi32>
    %mul3A_652 = arith.constant 4240 : i32
    %mul3A_653 = arith.muli %arg0, %mul3A_652 : i32
    %add3A_654 = vector.broadcast %mul3A_653 : i32 to vector<1x128xi32>
    %add3A_655 = arith.addi %select_n3A_651, %add3A_654 : vector<1x128xi32>
    %swap3A_656 = arith.constant 0 : index
    %swap3A_657 = arith.constant 0 : index
    %swap3A_658 = arith.constant 0 : index
    %swap3A_659 = vector.load %arg4[%swap3A_656, %swap3A_657, %swap3A_658] : memref<1x9x128xi32, #tpu.memory_space<vmem>>, vector<1x1x128xi32>
    %swap3A_660 = vector.shape_cast %swap3A_659 : vector<1x1x128xi32> to vector<1x128xi32>
    %swap3A_661 = vector.shape_cast %add3A_655 : vector<1x128xi32> to vector<1x1x128xi32>
    tpu.vector_store %arg4[%swap3A_656, %swap3A_657, %swap3A_658], %swap3A_661 {strides = array<i32>} : memref<1x9x128xi32, #tpu.memory_space<vmem>>, vector<1x1x128xi32>,
    %add3A_662 = arith.constant 8 : i32
    %add3A_663 = vector.broadcast %add3A_662 : i32 to vector<1x128xi32>
    %add3A_664 = arith.addi %convert_element_type3A_620, %add3A_663 : vector<1x128xi32>
    %mul3A_665 = arith.constant 4240 : i32
    %mul3A_666 = arith.muli %arg0, %mul3A_665 : i32
    %add3A_667 = vector.broadcast %mul3A_666 : i32 to vector<1x128xi32>
    %add3A_668 = arith.addi %add3A_664, %add3A_667 : vector<1x128xi32>
    %swap3A_669 = arith.constant 0 : index
    %swap3A_670 = arith.constant 1 : index
    %swap3A_671 = arith.constant 0 : index
    %swap3A_672 = vector.load %arg4[%swap3A_669, %swap3A_670, %swap3A_671] : memref<1x9x128xi32, #tpu.memory_space<vmem>>, vector<1x1x128xi32>
    %swap3A_673 = vector.shape_cast %swap3A_672 : vector<1x1x128xi32> to vector<1x128xi32>
    %swap3A_674 = vector.shape_cast %add3A_668 : vector<1x128xi32> to vector<1x1x128xi32>
    tpu.vector_store %arg4[%swap3A_669, %swap3A_670, %swap3A_671], %swap3A_674 {strides = array<i32>} : memref<1x9x128xi32, #tpu.memory_space<vmem>>, vector<1x1x128xi32>,
    %add3A_675 = arith.constant 9 : i32
    %add3A_676 = vector.broadcast %add3A_675 : i32 to vector<1x128xi32>
    %add3A_677 = arith.addi %convert_element_type3A_620, %add3A_676 : vector<1x128xi32>
    %le3A_678 = arith.constant 62 : i32
    %le3A_679 = vector.broadcast %le3A_678 : i32 to vector<1x128xi32>
    %le3A_680 = arith.cmpi sle, %select_n3A_642, %le3A_679 : vector<1x128xi32>
    %jit3A_681 = arith.constant 0 : i32
    %broadcast_in_dim3A_682 = vector.broadcast %jit3A_681 : i32 to vector<1x128xi32>
    %select_n3A_683 = arith.select %le3A_680, %add3A_677, %broadcast_in_dim3A_682 : vector<1x128xi1>, vector<1x128xi32>
    %mul3A_684 = arith.constant 4240 : i32
    %mul3A_685 = arith.muli %arg0, %mul3A_684 : i32
    %add3A_686 = vector.broadcast %mul3A_685 : i32 to vector<1x128xi32>
    %add3A_687 = arith.addi %select_n3A_683, %add3A_686 : vector<1x128xi32>
    %swap3A_688 = arith.constant 0 : index
    %swap3A_689 = arith.constant 2 : index
    %swap3A_690 = arith.constant 0 : index
    %swap3A_691 = vector.load %arg4[%swap3A_688, %swap3A_689, %swap3A_690] : memref<1x9x128xi32, #tpu.memory_space<vmem>>, vector<1x1x128xi32>
    %swap3A_692 = vector.shape_cast %swap3A_691 : vector<1x1x128xi32> to vector<1x128xi32>
    %swap3A_693 = vector.shape_cast %add3A_687 : vector<1x128xi32> to vector<1x1x128xi32>
    tpu.vector_store %arg4[%swap3A_688, %swap3A_689, %swap3A_690], %swap3A_693 {strides = array<i32>} : memref<1x9x128xi32, #tpu.memory_space<vmem>>, vector<1x1x128xi32>,
    %add3A_694 = arith.constant 71 : i32
    %add3A_695 = vector.broadcast %add3A_694 : i32 to vector<1x128xi32>
    %add3A_696 = arith.addi %convert_element_type3A_620, %add3A_695 : vector<1x128xi32>
    %ge3A_697 = arith.constant 1 : i32
    %ge3A_698 = vector.broadcast %ge3A_697 : i32 to vector<1x128xi32>
    %ge3A_699 = arith.cmpi sge, %select_n3A_642, %ge3A_698 : vector<1x128xi32>
    %jit3A_700 = arith.constant 0 : i32
    %broadcast_in_dim3A_701 = vector.broadcast %jit3A_700 : i32 to vector<1x128xi32>
    %select_n3A_702 = arith.select %ge3A_699, %add3A_696, %broadcast_in_dim3A_701 : vector<1x128xi1>, vector<1x128xi32>
    %mul3A_703 = arith.constant 4240 : i32
    %mul3A_704 = arith.muli %arg0, %mul3A_703 : i32
    %add3A_705 = vector.broadcast %mul3A_704 : i32 to vector<1x128xi32>
    %add3A_706 = arith.addi %select_n3A_702, %add3A_705 : vector<1x128xi32>
    %swap3A_707 = arith.constant 0 : index
    %swap3A_708 = arith.constant 3 : index
    %swap3A_709 = arith.constant 0 : index
    %swap3A_710 = vector.load %arg4[%swap3A_707, %swap3A_708, %swap3A_709] : memref<1x9x128xi32, #tpu.memory_space<vmem>>, vector<1x1x128xi32>
    %swap3A_711 = vector.shape_cast %swap3A_710 : vector<1x1x128xi32> to vector<1x128xi32>
    %swap3A_712 = vector.shape_cast %add3A_706 : vector<1x128xi32> to vector<1x1x128xi32>
    tpu.vector_store %arg4[%swap3A_707, %swap3A_708, %swap3A_709], %swap3A_712 {strides = array<i32>} : memref<1x9x128xi32, #tpu.memory_space<vmem>>, vector<1x1x128xi32>,
    %add3A_713 = arith.constant 72 : i32
    %add3A_714 = vector.broadcast %add3A_713 : i32 to vector<1x128xi32>
    %add3A_715 = arith.addi %convert_element_type3A_620, %add3A_714 : vector<1x128xi32>
    %mul3A_716 = arith.constant 4240 : i32
    %mul3A_717 = arith.muli %arg0, %mul3A_716 : i32
    %add3A_718 = vector.broadcast %mul3A_717 : i32 to vector<1x128xi32>
    %add3A_719 = arith.addi %add3A_715, %add3A_718 : vector<1x128xi32>
    %swap3A_720 = arith.constant 0 : index
    %swap3A_721 = arith.constant 4 : index
    %swap3A_722 = arith.constant 0 : index
    %swap3A_723 = vector.load %arg4[%swap3A_720, %swap3A_721, %swap3A_722] : memref<1x9x128xi32, #tpu.memory_space<vmem>>, vector<1x1x128xi32>
    %swap3A_724 = vector.shape_cast %swap3A_723 : vector<1x1x128xi32> to vector<1x128xi32>
    %swap3A_725 = vector.shape_cast %add3A_719 : vector<1x128xi32> to vector<1x1x128xi32>
    tpu.vector_store %arg4[%swap3A_720, %swap3A_721, %swap3A_722], %swap3A_725 {strides = array<i32>} : memref<1x9x128xi32, #tpu.memory_space<vmem>>, vector<1x1x128xi32>,
    %add3A_726 = arith.constant 73 : i32
    %add3A_727 = vector.broadcast %add3A_726 : i32 to vector<1x128xi32>
    %add3A_728 = arith.addi %convert_element_type3A_620, %add3A_727 : vector<1x128xi32>
    %le3A_729 = arith.constant 62 : i32
    %le3A_730 = vector.broadcast %le3A_729 : i32 to vector<1x128xi32>
    %le3A_731 = arith.cmpi sle, %select_n3A_642, %le3A_730 : vector<1x128xi32>
    %jit3A_732 = arith.constant 0 : i32
    %broadcast_in_dim3A_733 = vector.broadcast %jit3A_732 : i32 to vector<1x128xi32>
    %select_n3A_734 = arith.select %le3A_731, %add3A_728, %broadcast_in_dim3A_733 : vector<1x128xi1>, vector<1x128xi32>
    %mul3A_735 = arith.constant 4240 : i32
    %mul3A_736 = arith.muli %arg0, %mul3A_735 : i32
    %add3A_737 = vector.broadcast %mul3A_736 : i32 to vector<1x128xi32>
    %add3A_738 = arith.addi %select_n3A_734, %add3A_737 : vector<1x128xi32>
    %swap3A_739 = arith.constant 0 : index
    %swap3A_740 = arith.constant 5 : index
    %swap3A_741 = arith.constant 0 : index
    %swap3A_742 = vector.load %arg4[%swap3A_739, %swap3A_740, %swap3A_741] : memref<1x9x128xi32, #tpu.memory_space<vmem>>, vector<1x1x128xi32>
    %swap3A_743 = vector.shape_cast %swap3A_742 : vector<1x1x128xi32> to vector<1x128xi32>
    %swap3A_744 = vector.shape_cast %add3A_738 : vector<1x128xi32> to vector<1x1x128xi32>
    tpu.vector_store %arg4[%swap3A_739, %swap3A_740, %swap3A_741], %swap3A_744 {strides = array<i32>} : memref<1x9x128xi32, #tpu.memory_space<vmem>>, vector<1x1x128xi32>,
    %add3A_745 = arith.constant 135 : i32
    %add3A_746 = vector.broadcast %add3A_745 : i32 to vector<1x128xi32>
    %add3A_747 = arith.addi %convert_element_type3A_620, %add3A_746 : vector<1x128xi32>
    %ge3A_748 = arith.constant 1 : i32
    %ge3A_749 = vector.broadcast %ge3A_748 : i32 to vector<1x128xi32>
    %ge3A_750 = arith.cmpi sge, %select_n3A_642, %ge3A_749 : vector<1x128xi32>
    %jit3A_751 = arith.constant 0 : i32
    %broadcast_in_dim3A_752 = vector.broadcast %jit3A_751 : i32 to vector<1x128xi32>
    %select_n3A_753 = arith.select %ge3A_750, %add3A_747, %broadcast_in_dim3A_752 : vector<1x128xi1>, vector<1x128xi32>
    %mul3A_754 = arith.constant 4240 : i32
    %mul3A_755 = arith.muli %arg0, %mul3A_754 : i32
    %add3A_756 = vector.broadcast %mul3A_755 : i32 to vector<1x128xi32>
    %add3A_757 = arith.addi %select_n3A_753, %add3A_756 : vector<1x128xi32>
    %swap3A_758 = arith.constant 0 : index
    %swap3A_759 = arith.constant 6 : index
    %swap3A_760 = arith.constant 0 : index
    %swap3A_761 = vector.load %arg4[%swap3A_758, %swap3A_759, %swap3A_760] : memref<1x9x128xi32, #tpu.memory_space<vmem>>, vector<1x1x128xi32>
    %swap3A_762 = vector.shape_cast %swap3A_761 : vector<1x1x128xi32> to vector<1x128xi32>
    %swap3A_763 = vector.shape_cast %add3A_757 : vector<1x128xi32> to vector<1x1x128xi32>
    tpu.vector_store %arg4[%swap3A_758, %swap3A_759, %swap3A_760], %swap3A_763 {strides = array<i32>} : memref<1x9x128xi32, #tpu.memory_space<vmem>>, vector<1x1x128xi32>,
    %add3A_764 = arith.constant 136 : i32
    %add3A_765 = vector.broadcast %add3A_764 : i32 to vector<1x128xi32>
    %add3A_766 = arith.addi %convert_element_type3A_620, %add3A_765 : vector<1x128xi32>
    %mul3A_767 = arith.constant 4240 : i32
    %mul3A_768 = arith.muli %arg0, %mul3A_767 : i32
    %add3A_769 = vector.broadcast %mul3A_768 : i32 to vector<1x128xi32>
    %add3A_770 = arith.addi %add3A_766, %add3A_769 : vector<1x128xi32>
    %swap3A_771 = arith.constant 0 : index
    %swap3A_772 = arith.constant 7 : index
    %swap3A_773 = arith.constant 0 : index
    %swap3A_774 = vector.load %arg4[%swap3A_771, %swap3A_772, %swap3A_773] : memref<1x9x128xi32, #tpu.memory_space<vmem>>, vector<1x1x128xi32>
    %swap3A_775 = vector.shape_cast %swap3A_774 : vector<1x1x128xi32> to vector<1x128xi32>
    %swap3A_776 = vector.shape_cast %add3A_770 : vector<1x128xi32> to vector<1x1x128xi32>
    tpu.vector_store %arg4[%swap3A_771, %swap3A_772, %swap3A_773], %swap3A_776 {strides = array<i32>} : memref<1x9x128xi32, #tpu.memory_space<vmem>>, vector<1x1x128xi32>,
    %add3A_777 = arith.constant 137 : i32
    %add3A_778 = vector.broadcast %add3A_777 : i32 to vector<1x128xi32>
    %add3A_779 = arith.addi %convert_element_type3A_620, %add3A_778 : vector<1x128xi32>
    %le3A_780 = arith.constant 62 : i32
    %le3A_781 = vector.broadcast %le3A_780 : i32 to vector<1x128xi32>
    %le3A_782 = arith.cmpi sle, %select_n3A_642, %le3A_781 : vector<1x128xi32>
    %jit3A_783 = arith.constant 0 : i32
    %broadcast_in_dim3A_784 = vector.broadcast %jit3A_783 : i32 to vector<1x128xi32>
    %select_n3A_785 = arith.select %le3A_782, %add3A_779, %broadcast_in_dim3A_784 : vector<1x128xi1>, vector<1x128xi32>
    %mul3A_786 = arith.constant 4240 : i32
    %mul3A_787 = arith.muli %arg0, %mul3A_786 : i32
    %add3A_788 = vector.broadcast %mul3A_787 : i32 to vector<1x128xi32>
    %add3A_789 = arith.addi %select_n3A_785, %add3A_788 : vector<1x128xi32>
    %swap3A_790 = arith.constant 0 : index
    %swap3A_791 = arith.constant 8 : index
    %swap3A_792 = arith.constant 0 : index
    %swap3A_793 = vector.load %arg4[%swap3A_790, %swap3A_791, %swap3A_792] : memref<1x9x128xi32, #tpu.memory_space<vmem>>, vector<1x1x128xi32>
    %swap3A_794 = vector.shape_cast %swap3A_793 : vector<1x1x128xi32> to vector<1x128xi32>
    %swap3A_795 = vector.shape_cast %add3A_789 : vector<1x128xi32> to vector<1x1x128xi32>
    tpu.vector_store %arg4[%swap3A_790, %swap3A_791, %swap3A_792], %swap3A_795 {strides = array<i32>} : memref<1x9x128xi32, #tpu.memory_space<vmem>>, vector<1x1x128xi32>,
    return
  }
  func.func @transform_0(%arg0: i32) -> (i32, i32, i32) {
    %c0_i32 = arith.constant 0 : i32
    %c0_i32_0 = arith.constant 0 : i32
    %c0_i32_1 = arith.constant 0 : i32
    return %arg0, %c0_i32, %c0_i32_0 : i32, i32, i32
  }
  func.func @transform_1(%arg0: i32) -> (i32, i32, i32) {
    %c0_i32 = arith.constant 0 : i32
    %c0_i32_0 = arith.constant 0 : i32
    %c0_i32_1 = arith.constant 0 : i32
    return %arg0, %c0_i32, %c0_i32_0 : i32, i32, i32
  }
  func.func @transform_2(%arg0: i32) -> (i32, i32, i32, i32) {
    %c0_i32 = arith.constant 0 : i32
    %c0_i32_0 = arith.constant 0 : i32
    %c0_i32_1 = arith.constant 0 : i32
    %c0_i32_2 = arith.constant 0 : i32
    return %arg0, %c0_i32, %c0_i32_0, %c0_i32_1 : i32, i32, i32, i32
  }
  func.func @transform_3(%arg0: i32) -> (i32, i32, i32) {
    %c0_i32 = arith.constant 0 : i32
    %c0_i32_0 = arith.constant 0 : i32
    %c0_i32_1 = arith.constant 0 : i32
    return %arg0, %c0_i32, %c0_i32_0 : i32, i32, i32
  }
  func.func @transform_4(%arg0: i32) -> (i32, i32) {
    %c0_i32 = arith.constant 0 : i32
    %c0_i32_0 = arith.constant 0 : i32
    return %arg0, %c0_i32 : i32, i32
  }
}

</mosaic_0001>

<sc_bundles>
// kernel: kernel.4.cloned.1.call-start
scs
__scs_entry_jumppad:
0x0: {  	(pc) =	sbr.rel $0x88, $3  }
0x1: {  	(tag) =	ssettag $0x0;
	lr =	simm.s32 $0x1  }
0x2: {  	[smem:$0x3F9E] =	sst lr;
	_ =	strace $0xD0000000  }
0x3: {  	_ = 	snop  }
0x4: {  	_ = 	snop  }
0x5: {  	_ = 	snop  }
0x6: {  	_ = 	snop  }
0x7: {  	_ = 	snop  }
__scs_overlays_trampoline_lowered:
0x8: {  	[smem:$0x3FAD] =	sst s0  }
0x9: {  	[smem:$0x3FAE] =	sst s1  }
0xa: {  	[smem:$0x3FAF] =	sst s2  }
0xb: {  	[smem:$0x3FB0] =	sst s3  }
0xc: {  	[smem:$0x3FB1] =	sst s4  }
0xd: {  	[smem:$0x3FB2] =	sst s5  }
0xe: {  	[smem:$0x3FB3] =	sst s6  }
0xf: {  	[smem:$0x3FB4] =	sst s7  }
0x10: {  	[smem:$0x3FB5] =	sst s8  }
0x11: {  	[smem:$0x3FB6] =	sst s9;
	s0 =	simm.s32 @!p0 $0x0  }
0x12: {  	s1 =	sld [smem:$0x3F9C];
	s0 =	simm.s32 @p0 $0x1  }
0x13: {  	[smem:$0x3FB7] =	sst s0;
	s0 =	simm.s32 @!p1 $0x0  }
0x14: {  	s2 =	sld [smem:$0x3F9B];
	s0 =	simm.s32 @p1 $0x1  }
0x15: {  	[smem:$0x3FB8] =	sst s0;
	s0 =	simm.s32 @!p2 $0x0  }
0x16: {  	s3 =	sld [smem:$0x3FDB];
	s0 =	simm.s32 @p2 $0x1  }
0x17: {  	s4 =	simm.s32 $0x1BF5;
	[smem:$0x3FBA] =	sst s0  }
0x18: {  	s0 =	sld [smem:$0x3F9D];
	_ =	swait.ge [sflag:s4], $0x0  }
0x19: {  	s7 =	sld [smem:$0x3F9E]  }
0x1a: {  	s8 =	sadd.s32 $0xFFFFE003, lr  }
0x1b: {  	s9 =	sadd.s32 $0xFFFFFEF7, lr;
	s5 =	simm.s32 $0xFFFFFFFF;
	p2 =	slt.u32 s8, $0xFFFFF086  }
0x1c: {  	p1 =	slt.u32 s9, $0xF7A;
	s5 =	simm.s32 @!p2 $0x0  }
0x1d: {  	s5 =	simm.s32 @p1 $0x1;
	p0 =	seq.s32 s7, s2  }
0x1e: {  	s7 =	smul.u32 @!p0 $0xF7A, s2;
	p2 =	seq.s32 @!p0 s5, $0x0  }
0x1f: {  	s9 =	smul.u32 $0xF7A, s1;
	s8 =	simm.s32 @!p0 $0x1BF5;
	p2 =	por !p2, p0  }
0x20: {  	[sflag:s8] =	ssyncset.s32 @!p0 $0xFFFFF086;
	s6 =	sadd.s32 @!p0 s3, s7;
	s7 =	simm.s32 @!p0 $0x108  }
0x21: {  	s3 =	sadd.s32 s3, s9;
	s6 =	sadd.s32 @!p0 $0x88, s6;
	s7 =	simm.s32 @p2 $0x1082  }
0x22: {  	[simem:s7], [sflag:s8] =	dma.local @!p0 [hbm:s6], $0xF7A  }
0x23: {  	s9 =	sor.u32 $0xD0000000, s2;
	s6 =	simm.s32 $0x108;
	_ =	swait.ge @!p0 [sflag:s8], $0x0  }
0x24: {  	s3 =	sadd.s32 $0x88, s3;
	s6 =	simm.s32 @!p1 $0x1082;
	[sflag:s4] =	ssyncset.s32 $0xFFFFF086  }
0x25: {  	[simem:s6], [sflag:s4] =	dma.local [hbm:s3], $0xF7A  }
0x26: {  	[smem:$0x3F9E] =	sst s1;
	(tag) =	ssettag s2;
	_ =	strace s9  }
0x27: {  	s1 =	sld [smem:$0x3FAE]  }
0x28: {  	s2 =	sld [smem:$0x3FAF]  }
0x29: {  	s4 =	sld [smem:$0x3FB1]  }
0x2a: {  	p0 =	seq.s32 s5, $0x0;
	s5 =	sld [smem:$0x3FB2]  }
0x2b: {  	s6 =	sld [smem:$0x3FB3]  }
0x2c: {  	s7 =	sld [smem:$0x3FB4]  }
0x2d: {  	s3 =	simm.s32 $0x108;
	s8 =	sld [smem:$0x3FB5]  }
0x2e: {  	s3 =	simm.s32 @!p0 $0x1082;
	s9 =	sld [smem:$0x3FB6]  }
0x2f: {  	lr =	sadd.s32 s0, s3;
	s0 =	sld [smem:$0x3FAD]  }
0x30: {  	s3 =	sld [smem:$0x3FB0]  }
0x31: {  	[smem:$0x3FB9] =	sst s10  }
0x32: {  	s10 =	sld [smem:$0x3FB7];
	_ =	sdelay $0x3  }
0x33: {  	p0 =	seq.s32 s10, $0x1;
	s10 =	sld [smem:$0x3FB9];
	_ =	sdelay $0x3  }
0x34: {  	[smem:$0x3FB9] =	sst s10  }
0x35: {  	s10 =	sld [smem:$0x3FB8];
	_ =	sdelay $0x3  }
0x36: {  	p1 =	seq.s32 s10, $0x1;
	s10 =	sld [smem:$0x3FB9];
	_ =	sdelay $0x3  }
0x37: {  	[smem:$0x3FB9] =	sst s10  }
0x38: {  	s10 =	sld [smem:$0x3FBA]  }
0x39: {  	_ = 	snop;
	(pc) =	sbr.ind lr, $3  }
0x3a: {  	_ = 	snop  }
0x3b: {  	_ = 	snop  }
0x3c: {  	p2 =	seq.s32 s10, $0x1;
	s10 =	sld [smem:$0x3FB9]  }
0x3d: {  	_ =	shalt  }
0x3e: {  	_ =	shalt  }
0x3f: {  	_ =	shalt  }
0x40: {  	_ =	shalt  }
0x41: {  	_ =	shalt  }
0x42: {  	_ =	shalt  }
0x43: {  	_ =	shalt  }
0x44: {  	_ =	shalt  }
0x45: {  	_ =	shalt  }
0x46: {  	_ =	shalt  }
0x47: {  	_ =	shalt  }
0x48: {  	_ =	shalt  }
0x49: {  	_ =	shalt  }
0x4a: {  	_ =	shalt  }
0x4b: {  	_ =	shalt  }
0x4c: {  	_ =	shalt  }
0x4d: {  	_ =	shalt  }
0x4e: {  	_ =	shalt  }
0x4f: {  	_ =	shalt  }
0x50: {  	_ =	shalt  }
0x51: {  	_ =	shalt  }
0x52: {  	_ =	shalt  }
0x53: {  	_ =	shalt  }
0x54: {  	_ =	shalt  }
0x55: {  	_ =	shalt  }
0x56: {  	_ =	shalt  }
0x57: {  	_ =	shalt  }
0x58: {  	_ =	shalt  }
0x59: {  	_ =	shalt  }
0x5a: {  	_ =	shalt  }
0x5b: {  	_ =	shalt  }
0x5c: {  	_ =	shalt  }
0x5d: {  	_ =	shalt  }
0x5e: {  	_ =	shalt  }
0x5f: {  	_ =	shalt  }
0x60: {  	_ =	shalt  }
0x61: {  	_ =	shalt  }
0x62: {  	_ =	shalt  }
0x63: {  	_ =	shalt  }
0x64: {  	_ =	shalt  }
0x65: {  	_ =	shalt  }
0x66: {  	_ =	shalt  }
0x67: {  	_ =	shalt  }
0x68: {  	_ =	shalt  }
0x69: {  	_ =	shalt  }
0x6a: {  	_ =	shalt  }
0x6b: {  	_ =	shalt  }
0x6c: {  	_ =	shalt  }
0x6d: {  	_ =	shalt  }
0x6e: {  	_ =	shalt  }
0x6f: {  	_ =	shalt  }
0x70: {  	_ =	shalt  }
0x71: {  	_ =	shalt  }
0x72: {  	_ =	shalt  }
0x73: {  	_ =	shalt  }
0x74: {  	_ =	shalt  }
0x75: {  	_ =	shalt  }
0x76: {  	_ =	shalt  }
0x77: {  	_ =	shalt  }
0x78: {  	_ =	shalt  }
0x79: {  	_ =	shalt  }
0x7a: {  	_ =	shalt  }
0x7b: {  	_ =	shalt  }
0x7c: {  	_ =	shalt  }
0x7d: {  	_ =	shalt  }
0x7e: {  	_ =	shalt  }
0x7f: {  	_ =	shalt  }
0x80: {  	_ =	shalt  }
0x81: {  	_ =	shalt  }
0x82: {  	_ =	shalt  }
0x83: {  	_ =	shalt  }
0x84: {  	_ =	shalt  }
0x85: {  	_ =	shalt  }
0x86: {  	_ =	shalt  }
0x87: {  	_ =	shalt  }
.Lfunc_end0:
.L_simem_size_0:
called_computation_lowered:
.L_overlay_start_0:
0x88: {  	s2 =	sld [smem:$0x3FD9]  }
0x89: {  	s3 =	sld [smem:$0x3FFE];
	_ =	sdelay $0x1  }
0x8a: {  	s1 =	srdreg.scid  }
0x8b: {  	s0 =	sand.u32 $0x1, s1  }
0x8c: {  	s14 =	sshll.u32 s0, $0xA;
	s2 =	sadd.s32 s3, s2  }
0x8d: {  	s2 =	sadd.s32 s2, s14  }
0x8e: {  	[smem:$0x3FC5] =	sst s2  }
0x8f: {  	_ = 	snop  }
0x90: {  	s2 =	sld [smem:$0x3FD0];
	_ =	sdelay $0x2  }
0x91: {  	s15 =	simm.s32 $0xA;
	s4 =	simm.s32 $0x10  }
0x92: {  	[smem:s4], [sflag:s15] =	dma.local [hbm:s2], $0x1  }
0x93: {  	_ =	swait.eq [sflag:s15], $0x1  }
0x94: {  	[sflag:s15] =	ssyncset.done $0x0  }
0x95: {  	[sflag:s15] =	ssyncadd.s32 $0xFFFFFFFF  }
0x96: {  	s16 =	sld [smem:$0x11];
	(tm) =	ssettm $0x1  }
0x97: {  	s17 =	sld [smem:$0x3FFB];
	_ =	sdelay $0x3  }
0x98: {  	_ =	strace s17  }
0x99: {  	s3 =	sld [smem:$0x3FFC];
	_ =	sdelay $0x3  }
0x9a: {  	_ =	strace s3  }
0x9b: {  	s3 =	sld [smem:$0x3FFD];
	_ =	sdelay $0x3  }
0x9c: {  	_ =	strace s3  }
0x9d: {  	_ =	strace $0x8FFFFFFF  }
0x9e: {  	s18 =	sld [smem:$0x3FDB];
	_ =	sdelay $0x1  }
0x9f: {  	s19 =	simm.s32 $_scs_section_size  }
0xa0: {  	s5 =	simm.s32 $_size__tile_overlayer_lowered;
	s6 =	simm.s32 $_tile_overlayer_lowered  }
0xa1: {  	s22 =	simm.s32 $0x1BFF;
	s21 =	sshll.u32 s6, $0x1;
	s3 =	sadd.s32 s19, s18  }
0xa2: {  	s7 =	simm.s32 $0x0;
	s20 =	sshll.u32 s5, $0x1;
	s5 =	sadd.s32 s21, s3  }
0xa3: {  	[timem:s7], [sflag:s22] =	dma.local [hbm:s5], s20  }
0xa4: {  	_ =	swait.ge [sflag:s22], s20  }
0xa5: {  	s4 =	ssub.s32 $0x0, s20;
	[sflag:s22] =	ssyncset.done $0x0  }
0xa6: {  	[sflag:s22] =	ssyncadd.s32 s4;
	_ =	sdelay $0x1  }
0xa7: {  	s23 =	simm.s32 $0x1B8B  }
0xa8: {  	_ =	swait.ge [sflag:s23], $0x1  }
0xa9: {  	[sflag:s23] =	ssyncset.done $0x0  }
0xaa: {  	s25 =	simm.s32 $0x1B8E;
	s24 =	sld [smem:$0x3FFE];
	[sflag:s23] =	ssyncadd.s32 $0xFFFFFFFF  }
0xab: {  	s26 =	simm.s32 $execute0_lowered;
	[smem:$0x3FD2] =	sst s25  }
0xac: {  	s5 =	sshll.u32 s26, $0x1;
	_ =	strace $0x80000046;
	[dreg:$0x1] =	wrdreg $0xFFFFFFFF  }
0xad: {  	s28 =	simm.s32 $_size_execute0_lowered;
	s3 =	sadd.s32 s3, s5;
	[dreg:$0x0] =	wrdreg $0x0  }
0xae: {  	s5 =	sshll.u32 s28, $0x1;
	[dreg:$0x2] =	wrdreg s3  }
0xaf: {  	[dreg:$0x3] =	wrdreg s5  }
0xb0: {  	[dreg:$0x4] =	wrdreg $0xC0  }
0xb1: {  	_ =	task [dreg:s7], $0x5FFFF  }
0xb2: {  	[dreg:$0x1] =	wrdreg $0xFFFFFFFF  }
0xb3: {  	[dreg:$0x0] =	wrdreg $0x60  }
0xb4: {  	[dreg:$0x2] =	wrdreg s16  }
0xb5: {  	[dreg:$0x3] =	wrdreg s24  }
0xb6: {  	[dreg:$0x4] =	wrdreg $0x9  }
0xb7: {  	_ =	task.clear_ibuf [dreg:s7], $0x5FFFF;
	_ =	strace $0x90000046  }
0xb8: {  	s29 =	simm.s32 $0x9;
	_ =	strace $0x80000048  }
0xb9: {  	_ =	swait.ge [sflag:s29], $0x1  }
0xba: {  	[sflag:s29] =	ssyncadd.s32 $0xFFFFFFFF  }
0xbb: {  	_ =	strace $0x90000048  }
0xbc: {  	_ =	sfence  }
0xbd: {  	s30 =	sld [smem:$0x0];
	_ =	sdelay $0x2  }
0xbe: {  	s31 =	sshll.u32 s1, $0xD;
	s1 =	sshrl.u32 s1, $0x2  }
0xbf: {  	s3 =	sand.u32 $0x4000, s31;
	s1 =	sadd.s32 s1, s30  }
0xc0: {  	s0 =	sor.u32 s3, s0;
	s1 =	sshll.u32 s1, $0x11  }
0xc1: {  	s0 =	sor.u32 s1, s0  }
0xc2: {  	s0 =	sadd.s32 $0x8F2B, s0  }
0xc3: {  	[sflag:s0] =	ssyncadd.remote.s32 $0x1  }
0xc4: {  	_ =	sfence.sel $0xFFFF  }
0xc5: {  	[dreg:$0x0] =	wrdreg $0xFFFFFFFF;
	(pc) =	sbr.abs _section_cstart, $3  }
0xc6: {  	[dreg:$0x1] =	wrdreg $0xFFFFFFFF  }
0xc7: {  	_ =	task.clear_ibuf [dreg:s7], $0x2FFFF;
	_ =	strace $0x9FFFFFFF  }
0xc8: {  	(tm) =	ssettm $0x7FFFFFFF  }
0xc9: {  	_ =	shalt  }
tec
execute0_lowered:
.L_overlay_start_1:
0x0: {  	(tag) =	ssettag $0x1  }
0x1: {  	s4 =	rddreg [dreg:$0x0]  }
0x2: {  	s1 =	srdreg.scid;
	s0 =	stileid.u32  }
0x3: {  	s5 =	rddreg [dreg:$0x1];
	s2 =	simm.s32 $0x0;
	s10 =	simm.s32 $0x880  }
0x4: {  	s11 =	simm.s32 $0xC80;
	s12 =	simm.s32 $0x1480;
	s13 =	simm.s32 $0x1880  }
0x5: {  	s14 =	simm.s32 $0x2080;
	s15 =	simm.s32 $0x2480;
	s16 =	simm.s32 $0x2C80  }
0x6: {  	s17 =	simm.s32 $0x3080;
	s18 =	simm.s32 $0x3880;
	s19 =	simm.s32 $0x3C80  }
0x7: {  	s20 =	simm.s32 $0x4480;
	s21 =	simm.s32 $0x4880;
	s22 =	simm.s32 $0x5080  }
0x8: {  	s23 =	simm.s32 $0x5480;
	s24 =	simm.s32 $0x5C80;
	s25 =	simm.s32 $0x6080  }
0x9: {  	s26 =	simm.s32 $0x6880;
	s3 =	sand.u32 $0x1, s1;
	s6 =	sshll.u32 s0, $0x1  }
0xa: {  	s28 =	simm.s32 $0x1;
	s1 =	rddreg [dreg:$0x2];
	s6 =	sor.u32 s3, s6  }
0xb: {  	[smem:$0x7FF] =	sst s2;
	s8 =	ssub.s32 $0x2, s3;
	s7 =	smul.u32 $0xD80, s6  }
0xc: {  	_ =	strace $0x80000047;
	s9 =	sshrl.u32 s8, $0x1;
	s6 =	smul.u32 $0x9, s6  }
0xd: {  	v2 =	vlaneseq.u32;
	s3 =	sadd.s32 $0x1000, s5;
	s8 =	ssub.s32 s8, s9;
	s9 =	simm.s32 $0x80  }
0xe: {  	vm0 =	vmmov $0xffff;
	vm1 =	vmmov $0xff;
	v1 =	vshrl.u32 v2, $0x3;
	s7 =	sadd.s32 s7, s5;
	s4 =	sadd.s32 s4, s6;
	s5 =	sadd.s32 $0x1100, s5  }
0xf: {  	v0 =	vand.u32 $0x7, v2;
	v2 =	vor.u32 $0x8, v2;
	v1 =	vmul.u32 $0x8, v1;
	s6 =	sadd.s32 $0x64600, s7;
	s7 =	smax.u32 s8, $0x1;
	s8 =	simm.s32 $0x2  }
.LBB2_1:
0x10: {  	[tilespmem:s2], [sflag:$0x2] =	stream.linear.gather [hbm4b:s4+s2], $0x48, $0x38;
	[tilespmem:$0x6C80] =	vst v63  }
0x11: {  	_ =	swait.ge [sflag:s8], $0x48  }
0x12: {  	[sflag:s8] =	ssyncset.done $0x0  }
0x13: {  	[sflag:s8] =	ssyncadd.s32 $0xFFFFFFB8  }
0x14: {  	v3 =	vld [tilespmem:$0x0];
	_ =	sdelay $0x4  }
0x15: {  	v4 =	vshrl.u32 v3, $0x3  }
0x16: {  	v4 =	vmul.u32 $0x18, v4  }
0x17: {  	v3 =	vand.u32 $0x7, v3  }
0x18: {  	v3 =	vor.u32 v3, v4  }
0x19: {  	v4 =	vperm.xlane v3, v0;
	_ =	sdelay $0x1  }
0x1a: {  	v4 =	vadd.s32 v1, v4;
	_ =	sdelay $0x1  }
0x1b: {  	v3 =	vperm.xlane v3, v2;
	_ =	sdelay $0x1  }
0x1c: {  	v3 =	vadd.s32 v1, v3  }
0x1d: {  	[tilespmem:s9], [sflag:$0x1] =	stream.indirect_vreg.gather [hbm4b:s3+s2], $0x80, v4, vm0, $0xb8;
	[tilespmem:$0x6C80] =	vst v63  }
0x1e: {  	_ = 	snop  }
0x1f: {  	[tilespmem:s10], [sflag:$0x1] =	stream.indirect_vreg.gather [hbm4b:s5+s2], $0x80, v4, vm1, $0xb8;
	[tilespmem:$0x6C80] =	vst v63  }
0x20: {  	_ = 	snop  }
0x21: {  	[tilespmem:s11], [sflag:$0x1] =	stream.indirect_vreg.gather [hbm4b:s3+s2], $0x80, v3, vm0, $0xb8;
	[tilespmem:$0x6C80] =	vst v63  }
0x22: {  	_ = 	snop  }
0x23: {  	[tilespmem:s12], [sflag:$0x1] =	stream.indirect_vreg.gather [hbm4b:s5+s2], $0x80, v3, vm1, $0xb8;
	[tilespmem:$0x6C80] =	vst v63  }
0x24: {  	v3 =	vld [tilespmem:$0x10];
	_ =	sdelay $0x4  }
0x25: {  	v60 =	vshrl.u32 v3, $0x3  }
0x26: {  	v4 =	vmul.u32 $0x18, v60  }
0x27: {  	v3 =	vand.u32 $0x7, v3  }
0x28: {  	v3 =	vor.u32 v3, v4  }
0x29: {  	v4 =	vperm.xlane v3, v0;
	_ =	sdelay $0x1  }
0x2a: {  	v4 =	vadd.s32 v1, v4;
	_ =	sdelay $0x1  }
0x2b: {  	v3 =	vperm.xlane v3, v2;
	_ =	sdelay $0x1  }
0x2c: {  	v3 =	vadd.s32 v1, v3  }
0x2d: {  	[tilespmem:s13], [sflag:$0x1] =	stream.indirect_vreg.gather [hbm4b:s3+s2], $0x80, v4, vm0, $0xb8;
	[tilespmem:$0x6C80] =	vst v63  }
0x2e: {  	_ = 	snop  }
0x2f: {  	[tilespmem:s14], [sflag:$0x1] =	stream.indirect_vreg.gather [hbm4b:s5+s2], $0x80, v4, vm1, $0xb8;
	[tilespmem:$0x6C80] =	vst v63  }
0x30: {  	_ = 	snop  }
0x31: {  	[tilespmem:s15], [sflag:$0x1] =	stream.indirect_vreg.gather [hbm4b:s3+s2], $0x80, v3, vm0, $0xb8;
	[tilespmem:$0x6C80] =	vst v63  }
0x32: {  	_ = 	snop  }
0x33: {  	[tilespmem:s16], [sflag:$0x1] =	stream.indirect_vreg.gather [hbm4b:s5+s2], $0x80, v3, vm1, $0xb8;
	[tilespmem:$0x6C80] =	vst v63  }
0x34: {  	v3 =	vld [tilespmem:$0x20];
	_ =	sdelay $0x4  }
0x35: {  	v61 =	vshrl.u32 v3, $0x3  }
0x36: {  	v4 =	vmul.u32 $0x18, v61  }
0x37: {  	v3 =	vand.u32 $0x7, v3  }
0x38: {  	v3 =	vor.u32 v3, v4  }
0x39: {  	v4 =	vperm.xlane v3, v0;
	_ =	sdelay $0x1  }
0x3a: {  	v4 =	vadd.s32 v1, v4;
	_ =	sdelay $0x1  }
0x3b: {  	v3 =	vperm.xlane v3, v2;
	_ =	sdelay $0x1  }
0x3c: {  	v3 =	vadd.s32 v1, v3  }
0x3d: {  	[tilespmem:s17], [sflag:$0x1] =	stream.indirect_vreg.gather [hbm4b:s3+s2], $0x80, v4, vm0, $0xb8;
	[tilespmem:$0x6C80] =	vst v63  }
0x3e: {  	_ = 	snop  }
0x3f: {  	[tilespmem:s18], [sflag:$0x1] =	stream.indirect_vreg.gather [hbm4b:s5+s2], $0x80, v4, vm1, $0xb8;
	[tilespmem:$0x6C80] =	vst v63  }
0x40: {  	_ = 	snop  }
0x41: {  	[tilespmem:s19], [sflag:$0x1] =	stream.indirect_vreg.gather [hbm4b:s3+s2], $0x80, v3, vm0, $0xb8;
	[tilespmem:$0x6C80] =	vst v63  }
0x42: {  	_ = 	snop  }
0x43: {  	[tilespmem:s20], [sflag:$0x1] =	stream.indirect_vreg.gather [hbm4b:s5+s2], $0x80, v3, vm1, $0xb8;
	[tilespmem:$0x6C80] =	vst v63  }
0x44: {  	v3 =	vld [tilespmem:$0x30];
	_ =	sdelay $0x4  }
0x45: {  	v62 =	vshrl.u32 v3, $0x3  }
0x46: {  	v4 =	vmul.u32 $0x18, v62  }
0x47: {  	v3 =	vand.u32 $0x7, v3  }
0x48: {  	v3 =	vor.u32 v3, v4  }
0x49: {  	v4 =	vperm.xlane v3, v0;
	_ =	sdelay $0x1  }
0x4a: {  	v4 =	vadd.s32 v1, v4;
	_ =	sdelay $0x1  }
0x4b: {  	v3 =	vperm.xlane v3, v2;
	_ =	sdelay $0x1  }
0x4c: {  	v3 =	vadd.s32 v1, v3  }
0x4d: {  	[tilespmem:s21], [sflag:$0x1] =	stream.indirect_vreg.gather [hbm4b:s3+s2], $0x80, v4, vm0, $0xb8;
	[tilespmem:$0x6C80] =	vst v63  }
0x4e: {  	_ = 	snop  }
0x4f: {  	[tilespmem:s22], [sflag:$0x1] =	stream.indirect_vreg.gather [hbm4b:s5+s2], $0x80, v4, vm1, $0xb8;
	[tilespmem:$0x6C80] =	vst v63  }
0x50: {  	_ = 	snop  }
0x51: {  	[tilespmem:s23], [sflag:$0x1] =	stream.indirect_vreg.gather [hbm4b:s3+s2], $0x80, v3, vm0, $0xb8;
	[tilespmem:$0x6C80] =	vst v63  }
0x52: {  	_ = 	snop  }
0x53: {  	[tilespmem:s24], [sflag:$0x1] =	stream.indirect_vreg.gather [hbm4b:s5+s2], $0x80, v3, vm1, $0xb8;
	[tilespmem:$0x6C80] =	vst v63  }
0x54: {  	v3 =	vld.msk [tilespmem:$0x40], $0xff;
	_ =	sdelay $0x4  }
0x55: {  	v63 =	vshrl.u32 v3, $0x3  }
0x56: {  	v4 =	vmul.u32 $0x18, v63  }
0x57: {  	v3 =	vand.u32 $0x7, v3  }
0x58: {  	v3 =	vor.u32 v3, v4  }
0x59: {  	v3 =	vperm.xlane v3, v0;
	_ =	sdelay $0x1  }
0x5a: {  	v3 =	vadd.s32 v1, v3;
	_ =	sdelay $0x4  }
0x5b: {  	[tilespmem:s25], [sflag:$0x1] =	stream.indirect_vreg.gather [hbm4b:s3+s2], $0x80, v3, vm0, $0xb8;
	[tilespmem:$0x6C80] =	vst v63  }
0x5c: {  	_ = 	snop  }
0x5d: {  	[tilespmem:s26], [sflag:$0x1] =	stream.indirect_vreg.gather [hbm4b:s5+s2], $0x80, v3, vm1, $0xb8;
	[tilespmem:$0x6C80] =	vst v63  }
0x5e: {  	_ =	swait.ge [sflag:s28], $0x6C00  }
0x5f: {  	p0 =	sne.s32 s7, $0x1;
	[sflag:s28] =	ssyncset.done $0x0  }
.Ltmp0:
0x60: {  	[sflag:s28] =	ssyncadd.s32 $0xFFFF9400;
	(pc) =	sbr.rel @p0 .LBB2_1-.Ltmp0, $4  }
0x61: {  	[hbm4b:s6+s2] =	stream.linear.scatter [tilespmem:s9], [sflag:$0x2], $0x6C00, $0x38;
	[tilespmem:$0x6C80] =	vst v63  }
0x62: {  	_ =	swait.ge [sflag:s8], $0x6C00  }
0x63: {  	[sflag:s8] =	ssyncset.done $0x0  }
0x64: {  	s7 =	sadd.s32 $0xFFFFFFFF, s7;
	[sflag:s8] =	ssyncadd.s32 $0xFFFF9400  }
0x65: {  	_ =	sfence.sel $0x180000  }
0x66: {  	[bflag:$0x0] =	sbarrier.arrive $0xFFFF  }
0x67: {  	p0 =	sne.s32 s0, $0x0;
	_ =	strace $0x90000047  }
0x68: {  	s0 =	sadd.s32 @!p0 $0x100000, s1;
	[bflag:$0x2] =	sbarrier.arrive $0xFFFF  }
0x69: {  	[sflag:s0] =	ssyncadd.tile.s32 @!p0 $0x1;
	_ =	shalt  }
.Lfunc_end2:
_tile_overlayer_lowered:
.L_overlay_start_2:
0x6a: {  	(tag) =	ssettag $0x2  }
0x6b: {  	s0 =	rddreg [dreg:$0x0];
	s2 =	stileid.u32  }
0x6c: {  	s1 =	rddreg [dreg:$0x1];
	p0 =	sne.s32 s2, $0x0  }
0x6d: {  	s3 =	rddreg [dreg:$0x2];
	[bflag:$0x3] =	sbarrier.arrive $0xFFFF;
	s2 =	simm.s32 @!p0 $0x1C02  }
0x6e: {  	[timem:s3], [sflag:s2] =	dma.local @!p0 [hbm:s0], s1  }
0x6f: {  	s0 =	simm.s32 @!p0 $0x2  }
0x70: {  	_ =	swait.ge @!p0 [sflag:s0], s1  }
0x71: {  	s1 =	ssub.s32 @!p0 $0x0, s1;
	[sflag:s0] =	ssyncset.done @!p0 $0x0  }
0x72: {  	[sflag:s0] =	ssyncadd.s32 @!p0 s1  }
0x73: {  	[bflag:$0x3] =	sbarrier.arrive $0xFFFF  }
0x74: {  	_ =	shalt  }

</sc_bundles>
